<compile_context>
chip_gen: v7x
topology: tpu7x:2x2x1
jax: 0.10.2.dev20260603
libtpu: 0.0.44.dev20260713+nightly
codegen_flags: <defaults>
</compile_context>

<pallas_src>
import functools

import jax
import jax.numpy as jnp
from jax import lax
from jax.experimental import pallas as pl
from jax.experimental.pallas import tpu as pltpu
from jax.experimental.pallas import tpu_sc as plsc

B, T = 128, 50
N_STATIC = 64
EN, ET, H = 64, 128, 512
ENP = 128
D = ET
G = B * T

_NC, _NS = 2, 16
_NW = _NC * _NS
_PW = G // _NW
_CHUNKS = ((0, 128), (128, 72))


def _sc_gather_body(embN_hbm, nidx_hbm, embT_hbm, tidx_hbm,
                    outN_hbm, outT_hbm,
                    idxN_v, rowsN_v, idxT_v, rowsT_v, semN, semT):
    wid = lax.axis_index("s") * _NC + lax.axis_index("c")
    base = wid * _PW
    pltpu.sync_copy(nidx_hbm.at[pl.ds(base, _PW)], idxN_v)
    pltpu.sync_copy(tidx_hbm.at[pl.ds(base, _PW)], idxT_v)
    copies = []
    for off, width in _CHUNKS:
        copies.append(pltpu.async_copy(
            embN_hbm.at[idxN_v.at[pl.ds(off, width)]],
            rowsN_v.at[pl.ds(off, width)], semN))
        copies.append(pltpu.async_copy(
            embT_hbm.at[idxT_v.at[pl.ds(off, width)]],
            rowsT_v.at[pl.ds(off, width)], semT))
    for cp in copies:
        cp.wait()
    pltpu.sync_copy(rowsN_v, outN_hbm.at[pl.ds(base, _PW)])
    pltpu.sync_copy(rowsT_v, outT_hbm.at[pl.ds(base, _PW)])


def _sc_gather(embN, nidx, embT, tidx):
    gather = functools.partial(
        pl.kernel,
        out_type=(jax.ShapeDtypeStruct((G, ENP), jnp.float32),
                  jax.ShapeDtypeStruct((G, ET), jnp.float32)),
        mesh=plsc.VectorSubcoreMesh(core_axis_name="c", subcore_axis_name="s",
                                    num_cores=_NC),
        scratch_types=[
            pltpu.VMEM((_PW,), jnp.int32),
            pltpu.VMEM((_PW, ENP), jnp.float32),
            pltpu.VMEM((_PW,), jnp.int32),
            pltpu.VMEM((_PW, ET), jnp.float32),
            pltpu.SemaphoreType.DMA,
            pltpu.SemaphoreType.DMA,
        ],
    )(_sc_gather_body)
    return gather(embN, nidx, embT, tidx)


def _tc_body(tfull_ref, nemb_ref, semb_ref,
             Wn_ref, Wht_ref, Wh_ref, bm_ref,
             Wdn_ref, Wdh_ref, Wdhd_ref, bd_ref,
             h0_ref, c0_ref, dih_ref, dic_ref,
             out_ref,
             h_s, c_s, hist_s, prev_s, need_s, red_s):
    ts = pl.program_id(0)
    lane = lax.broadcasted_iota(jnp.int32, (B, T), 1)

    @pl.when(ts == 0)
    def _prologue():
        h_s[...] = jnp.broadcast_to(h0_ref[...], (B, H))
        c_s[...] = jnp.broadcast_to(c0_ref[...], (B, H))
        t_all = tfull_ref[...]
        d = jnp.where(t_all >= N_STATIC, t_all, -1)
        prev = jnp.full((B, T), -1, jnp.int32)
        for tp in range(T - 1):
            dcol = d[:, tp:tp + 1]
            hit = (d == dcol) & (lane > tp) & (dcol >= 0)
            prev = jnp.where(hit, tp, prev)
        prev_s[...] = prev
        need = jnp.zeros((B, T), jnp.int32)
        for t2 in range(1, T):
            need = jnp.where(lane == prev[:, t2:t2 + 1], 1, need)
        need_s[...] = need

    sel = lane == ts
    prev_col = jnp.sum(jnp.where(sel, prev_s[...], 0), axis=1, keepdims=True)
    upd_col = prev_col >= 0
    r_any = jnp.sum(upd_col.astype(jnp.int32)) > 0
    w_any = jnp.sum(jnp.where(sel, need_s[...], 0)) > 0
    t_col = jnp.sum(jnp.where(sel, tfull_ref[...], 0), axis=1, keepdims=True)

    @pl.when(r_any)
    def _reduce():
        iota3 = lax.broadcasted_iota(jnp.int32, (T, B, 1), 0)
        eq3 = iota3 == prev_col[None, :, :]
        red_s[...] = jnp.sum(jnp.where(eq3, hist_s[...], 0.0), axis=0)

    n_emb = nemb_ref[...].reshape(B, ENP)
    s_emb = semb_ref[...].reshape(B, ET)
    red = red_s[...]
    init_h = jnp.broadcast_to(dih_ref[...], (B, D))
    init_c = jnp.broadcast_to(dic_ref[...], (B, D))
    h_dynamic = jnp.where(upd_col, red[:, :D], init_h)
    c_dynamic = jnp.where(upd_col, red[:, D:], init_c)
    h_tensor = jnp.where(t_col < N_STATIC, s_emb, h_dynamic)

    h = h_s[...]
    c = c_s[...]
    g = (jnp.dot(n_emb, Wn_ref[...], preferred_element_type=jnp.float32)
         + jnp.dot(h_tensor, Wht_ref[...], preferred_element_type=jnp.float32)
         + jnp.dot(h, Wh_ref[...], preferred_element_type=jnp.float32)
         + bm_ref[...])
    i_g = jax.nn.sigmoid(g[:, 0 * H:1 * H])
    f_g = jax.nn.sigmoid(g[:, 1 * H:2 * H])
    g_g = jnp.tanh(g[:, 2 * H:3 * H])
    o_g = jax.nn.sigmoid(g[:, 3 * H:4 * H])
    c_new = f_g * c + i_g * g_g
    h_new = o_g * jnp.tanh(c_new)
    out_ref[...] = h_new[None]
    h_s[...] = h_new
    c_s[...] = c_new

    @pl.when(w_any)
    def _dyn():
        gd = (jnp.dot(n_emb, Wdn_ref[...], preferred_element_type=jnp.float32)
              + jnp.dot(h, Wdh_ref[...], preferred_element_type=jnp.float32)
              + jnp.dot(h_dynamic, Wdhd_ref[...],
                        preferred_element_type=jnp.float32)
              + bd_ref[...])
        i_d = jax.nn.sigmoid(gd[:, 0 * D:1 * D])
        f_d = jax.nn.sigmoid(gd[:, 1 * D:2 * D])
        g_d = jnp.tanh(gd[:, 2 * D:3 * D])
        o_d = jax.nn.sigmoid(gd[:, 3 * D:4 * D])
        c_dyn = f_d * c_dynamic + i_d * g_d
        h_dyn = o_d * jnp.tanh(c_dyn)
        hist_s[pl.ds(ts, 1)] = jnp.concatenate([h_dyn, c_dyn], axis=1)[None]


def _tc_forward(tfull, nemb3, semb3, Wn, Wht, Wh, bm, Wdn, Wdh, Wdhd, bd,
                h0, c0, dih, dic):
    full = lambda shape: pl.BlockSpec(shape, lambda t: (0,) * len(shape))
    return pl.pallas_call(
        _tc_body,
        grid=(T,),
        in_specs=[
            full((B, T)),
            pl.BlockSpec((1, B, ENP), lambda t: (t, 0, 0)),
            pl.BlockSpec((1, B, ET), lambda t: (t, 0, 0)),
            full((ENP, 4 * H)),
            full((ET, 4 * H)),
            full((H, 4 * H)),
            full((1, 4 * H)),
            full((ENP, 4 * D)),
            full((H, 4 * D)),
            full((D, 4 * D)),
            full((1, 4 * D)),
            full((1, H)),
            full((1, H)),
            full((1, D)),
            full((1, D)),
        ],
        out_specs=pl.BlockSpec((1, B, H), lambda t: (t, 0, 0)),
        out_shape=jax.ShapeDtypeStruct((T, B, H), jnp.float32),
        scratch_shapes=[
            pltpu.VMEM((B, H), jnp.float32),
            pltpu.VMEM((B, H), jnp.float32),
            pltpu.VMEM((T, B, 2 * D), jnp.float32),
            pltpu.VMEM((B, T), jnp.int32),
            pltpu.VMEM((B, T), jnp.int32),
            pltpu.VMEM((B, 2 * D), jnp.float32),
        ],
        compiler_params=pltpu.CompilerParams(
            dimension_semantics=("arbitrary",)),
    )(tfull, nemb3, semb3, Wn, Wht, Wh, bm, Wdn, Wdh, Wdhd, bd,
      h0, c0, dih, dic)


def kernel(n_input_all, t_input_all, embN, embT, Wih, Whh, bih, bhh,
           Wih_d, Whh_d, bih_d, bhh_d, hid_init, cell_init,
           dyn_init_h, dyn_init_c):
    nidx = n_input_all.T.reshape(G).astype(jnp.int32)
    tidx = jnp.clip(t_input_all.T, 0, N_STATIC - 1).reshape(G).astype(jnp.int32)
    embN_p = jnp.concatenate(
        [embN, jnp.zeros((embN.shape[0], ENP - EN), jnp.float32)], axis=1)
    nemb_rows, semb_rows = _sc_gather(embN_p, nidx, embT, tidx)
    nemb3 = nemb_rows.reshape(T, B, ENP)
    semb3 = semb_rows.reshape(T, B, ET)

    tfull = t_input_all.astype(jnp.int32)
    Wn = jnp.concatenate(
        [Wih[:, :EN].T, jnp.zeros((ENP - EN, 4 * H), jnp.float32)], axis=0)
    Wht = Wih[:, EN:].T
    Wh = Whh.T
    bm = (bih + bhh)[None, :]
    Wdn = jnp.concatenate(
        [Wih_d[:, :EN].T, jnp.zeros((ENP - EN, 4 * D), jnp.float32)], axis=0)
    Wdh = Wih_d[:, EN:].T
    Wdhd = Whh_d.T
    bd = (bih_d + bhh_d)[None, :]
    h0 = hid_init[None, :]
    c0 = cell_init[None, :]

    out_t = _tc_forward(tfull, nemb3, semb3, Wn, Wht, Wh, bm,
                        Wdn, Wdh, Wdhd, bd, h0, c0, dyn_init_h, dyn_init_c)
    return jnp.transpose(out_t, (1, 0, 2))

# --- scband reference (transcript-rebuilt; emitter-appended) ---
"""Pipeline reference for scband-dynamic-rnnencoder-9689446220126 (READ-ONLY COPY).

The authoritative reference and input builder live on the scoring server;
editing this copy changes nothing except your own understanding.
"""

import jax, jax.numpy as jnp
import numpy as np

B, T = 128, 50
VOCAB_T, VOCAB_N, N_STATIC = 100000, 1000, 64
V_DYN = VOCAB_T - N_STATIC
EN, ET, H = 64, 128, 512
D = ET  # embedding_sizeT_dyn defaults to embedding_sizeT
MAX_SLOTS = B * T + 1
DUMMY = MAX_SLOTS - 1


def lstm_cell(x, h, c, Wih, Whh, bih, bhh):
    # torch.nn.LSTMCell gate order: i, f, g, o
    g = x @ Wih.T + bih + h @ Whh.T + bhh
    i, f, gg, o = jnp.split(g, 4, axis=1)
    i = jax.nn.sigmoid(i)
    f = jax.nn.sigmoid(f)
    o = jax.nn.sigmoid(o)
    gg = jnp.tanh(gg)
    c2 = f * c + i * gg
    h2 = o * jnp.tanh(c2)
    return h2, c2


def setup_inputs(seed: int = 0) -> dict:
    key = jax.random.key(seed)
    ks = jax.random.split(key, 18)
    s = 0.05
    return {
        "n_input_all": jax.random.randint(ks[0], (B, T), 0, VOCAB_N),
        "t_input_all": jax.random.randint(ks[1], (B, T), 0, VOCAB_T),
        "embN": jax.random.normal(ks[2], (VOCAB_N, EN), dtype=jnp.float32) * s,
        "embT": jax.random.normal(ks[3], (N_STATIC, ET), dtype=jnp.float32) * s,
        "Wih": jax.random.normal(ks[4], (4 * H, EN + ET), dtype=jnp.float32) * s,
        "Whh": jax.random.normal(ks[5], (4 * H, H), dtype=jnp.float32) * s,
        "bih": jax.random.normal(ks[6], (4 * H,), dtype=jnp.float32) * s,
        "bhh": jax.random.normal(ks[7], (4 * H,), dtype=jnp.float32) * s,
        "Wih_d": jax.random.normal(ks[8], (4 * D, EN + H), dtype=jnp.float32) * s,
        "Whh_d": jax.random.normal(ks[9], (4 * D, D), dtype=jnp.float32) * s,
        "bih_d": jax.random.normal(ks[10], (4 * D,), dtype=jnp.float32) * s,
        "bhh_d": jax.random.normal(ks[11], (4 * D,), dtype=jnp.float32) * s,
        "hid_init": jax.random.normal(ks[12], (H,), dtype=jnp.float32) * s,
        "cell_init": jax.random.normal(ks[13], (H,), dtype=jnp.float32) * s,
        "dyn_init_h": jax.random.normal(ks[14], (1, D), dtype=jnp.float32) * s,
        "dyn_init_c": jax.random.normal(ks[15], (1, D), dtype=jnp.float32) * s,
    }


def reference(n_input_all, t_input_all, embN, embT, Wih, Whh, bih, bhh,
              Wih_d, Whh_d, bih_d, bhh_d, hid_init, cell_init, dyn_init_h, dyn_init_c):
    h = jnp.tile(hid_init[None, :], (B, 1))
    c = jnp.tile(cell_init[None, :], (B, 1))
    # per-batch-row lookup table over the dynamic vocab, -1 = unseen
    lookup = jnp.full((B, V_DYN), -1, dtype=jnp.int32)
    # preallocated dynamic-embedding slot memory (torch appends; we preallocate B*T slots + 1 dummy)
    de_h = jnp.zeros((MAX_SLOTS, D), dtype=jnp.float32)
    de_c = jnp.zeros((MAX_SLOTS, D), dtype=jnp.float32)
    counter = jnp.array(0, dtype=jnp.int32)
    arangeB = jnp.arange(B)
    outs = []
    for ts in range(T):
        n_in = n_input_all[:, ts]
        t_in = t_input_all[:, ts]
        is_static = t_in < N_STATIC  # static ids are 0..N_STATIC-1, so membership test == range check
        is_dyn = ~is_static
        dd = jnp.clip(t_in - N_STATIC, 0, V_DYN - 1)  # dynamic2dense
        lok = lookup[arangeB, dd]
        is_new = is_dyn & (lok == -1)
        is_upd = is_dyn & (lok != -1)
        safe_lok = jnp.clip(lok, 0, MAX_SLOTS - 1)
        n_emb = embN[n_in]  # embedded_dropout with dropout=0 -> plain lookup
        stat_emb = embT[jnp.clip(t_in, 0, N_STATIC - 1)]  # static2dense is identity
        upd_h = de_h[safe_lok]
        upd_c = de_c[safe_lok]
        init_h = jnp.broadcast_to(dyn_init_h, (B, D))
        init_c = jnp.broadcast_to(dyn_init_c, (B, D))
        # emb_transform is identity (embedding_sizeT_dyn is None)
        h_tensor = jnp.where(is_static[:, None], stat_emb,
                             jnp.where(is_upd[:, None], upd_h, init_h))
        h_dynamic = jnp.where(is_upd[:, None], upd_h, init_h)
        c_dynamic = jnp.where(is_upd[:, None], upd_c, init_c)
        x = jnp.concatenate([n_emb, h_tensor], axis=1)
        h_new, c_new = lstm_cell(x, h, c, Wih, Whh, bih, bhh)
        # dyn LSTM computed full-batch; only dynamic rows' results are consumed (== torch masked version)
        dyn_x = jnp.concatenate([n_emb, h], axis=1)
        h_dyn, c_dyn = lstm_cell(dyn_x, h_dynamic, c_dynamic, Wih_d, Whh_d, bih_d, bhh_d)
        new_slots = counter + jnp.cumsum(is_new.astype(jnp.int32)) - 1
        tgt = jnp.where(is_upd, safe_lok, jnp.where(is_new, new_slots, DUMMY))
        de_h = de_h.at[tgt].set(h_dyn)
        de_c = de_c.at[tgt].set(c_dyn)
        lookup = lookup.at[arangeB, dd].set(jnp.where(is_new, new_slots, lok))
        counter = counter + jnp.sum(is_new.astype(jnp.int32))
        h, c = h_new, c_new
        outs.append(h_new)
    return jnp.stack(outs, axis=1)  # [B, T, H]

if __name__ == "__main__":
    import jax
    _d = setup_inputs()
    print(jax.jit(kernel)(*tuple(_d.values())))

</pallas_src>

<mosaic_0001>
#map = affine_map<(d0, d1) -> (0, 0)>
#map1 = affine_map<(d0, d1) -> (0)>
module attributes {stable_mosaic.version = 14 : i64} {
  func.func @_sc_gather_body(%arg0: i32, %arg1: i32, %arg2: memref<1000x128xf32, #tpu.memory_space<hbm>>, %arg3: memref<6400xi32, #tpu.memory_space<hbm>>, %arg4: memref<64x128xf32, #tpu.memory_space<hbm>>, %arg5: memref<6400xi32, #tpu.memory_space<hbm>>, %arg6: memref<6400x128xf32, #tpu.memory_space<hbm>>, %arg7: memref<6400x128xf32, #tpu.memory_space<hbm>>, %arg8: memref<200xi32, #tpu.memory_space<vmem>>, %arg9: memref<200x128xf32, #tpu.memory_space<vmem>>, %arg10: memref<200xi32, #tpu.memory_space<vmem>>, %arg11: memref<200x128xf32, #tpu.memory_space<vmem>>, %arg12: memref<!tpu.dma_semaphore, #tpu.memory_space<semaphore_mem>>, %arg13: memref<!tpu.dma_semaphore, #tpu.memory_space<semaphore_mem>>) attributes {dimension_semantics = [#tpu.dimension_semantics<core_parallel>, #tpu.dimension_semantics<subcore_parallel>], iteration_bounds = array<i64: 2, 16>, scalar_prefetch = 0 : i64, scratch_operands = 6 : i64, tpu.core_type = #tpu.core_type<sc_vector_subcore>, window_params = [{transform_indices = #map}, {transform_indices = #map1}, {transform_indices = #map}, {transform_indices = #map1}, {transform_indices = #map}, {transform_indices = #map}]} {
    %mul3A = arith.constant 2 : i32
    %mul3A_0 = arith.muli %arg1, %mul3A : i32
    %add3A = arith.addi %mul3A_0, %arg0 : i32
    %mul3A_1 = arith.constant 200 : i32
    %mul3A_2 = arith.muli %add3A, %mul3A_1 : i32
    "tpu.region"() ({
      %run_scoped3A = tpu.sem_alloc : memref<!tpu.dma_semaphore, #tpu.memory_space<semaphore_mem>>
      %dma_start3A_65 = tpu.memref_slice %arg3[%mul3A_2] : memref<6400xi32, #tpu.memory_space<hbm>> -> memref<200xi32, #tpu.memory_space<hbm>>
      %dma_start3A_66 = tpu.memref_slice %arg3[%mul3A_2] : memref<6400xi32, #tpu.memory_space<hbm>> -> memref<200xi32, #tpu.memory_space<hbm>>
      tpu.enqueue_dma source(%dma_start3A_66 : memref<200xi32, #tpu.memory_space<hbm>>) target(%arg8 : memref<200xi32, #tpu.memory_space<vmem>>) target_semaphore(%run_scoped3A : memref<!tpu.dma_semaphore, #tpu.memory_space<semaphore_mem>>)
      %dma_wait3A_67 = tpu.memref_slice %arg3[%mul3A_2] : memref<6400xi32, #tpu.memory_space<hbm>> -> memref<200xi32, #tpu.memory_space<hbm>>
      %dma_wait3A_68 = tpu.memref_slice %arg3[%mul3A_2] : memref<6400xi32, #tpu.memory_space<hbm>> -> memref<200xi32, #tpu.memory_space<hbm>>
      tpu.wait_dma2 semaphore(%run_scoped3A : memref<!tpu.dma_semaphore, #tpu.memory_space<semaphore_mem>>) src(%dma_wait3A_68 : memref<200xi32, #tpu.memory_space<hbm>>) dst(%arg8 : memref<200xi32, #tpu.memory_space<vmem>>)
      tpu.yield
    }) : () -> ()
    "tpu.region"() ({
      %run_scoped3A = tpu.sem_alloc : memref<!tpu.dma_semaphore, #tpu.memory_space<semaphore_mem>>
      %dma_start3A_65 = tpu.memref_slice %arg5[%mul3A_2] : memref<6400xi32, #tpu.memory_space<hbm>> -> memref<200xi32, #tpu.memory_space<hbm>>
      %dma_start3A_66 = tpu.memref_slice %arg5[%mul3A_2] : memref<6400xi32, #tpu.memory_space<hbm>> -> memref<200xi32, #tpu.memory_space<hbm>>
      tpu.enqueue_dma source(%dma_start3A_66 : memref<200xi32, #tpu.memory_space<hbm>>) target(%arg10 : memref<200xi32, #tpu.memory_space<vmem>>) target_semaphore(%run_scoped3A : memref<!tpu.dma_semaphore, #tpu.memory_space<semaphore_mem>>)
      %dma_wait3A_67 = tpu.memref_slice %arg5[%mul3A_2] : memref<6400xi32, #tpu.memory_space<hbm>> -> memref<200xi32, #tpu.memory_space<hbm>>
      %dma_wait3A_68 = tpu.memref_slice %arg5[%mul3A_2] : memref<6400xi32, #tpu.memory_space<hbm>> -> memref<200xi32, #tpu.memory_space<hbm>>
      tpu.wait_dma2 semaphore(%run_scoped3A : memref<!tpu.dma_semaphore, #tpu.memory_space<semaphore_mem>>) src(%dma_wait3A_68 : memref<200xi32, #tpu.memory_space<hbm>>) dst(%arg10 : memref<200xi32, #tpu.memory_space<vmem>>)
      tpu.yield
    }) : () -> ()
    %dma_start3A = arith.constant 0 : i32
    %dma_start3A_3 = arith.constant 0 : i32
    %dma_start3A_4 = tpu.memref_slice %arg9[%dma_start3A, %dma_start3A_3] : memref<200x128xf32, #tpu.memory_space<vmem>> -> memref<128x128xf32, #tpu.memory_space<vmem>>
    %dma_start3A_5 = arith.constant 0 : i32
    %dma_start3A_6 = tpu.memref_slice %arg8[%dma_start3A_5] : memref<200xi32, #tpu.memory_space<vmem>> -> memref<128xi32, #tpu.memory_space<vmem>>
    %dma_start3A_7 = arith.constant 0 : i32
    %dma_start3A_8 = arith.constant 0 : i32
    %dma_start3A_9 = tpu.memref_slice %arg2[%dma_start3A_7, %dma_start3A_8] : memref<1000x128xf32, #tpu.memory_space<hbm>> -> memref<1000x128xf32, #tpu.memory_space<hbm>>
    tpu.enqueue_indirect_dma source(%dma_start3A_9 : memref<1000x128xf32, #tpu.memory_space<hbm>>) target(%dma_start3A_4 : memref<128x128xf32, #tpu.memory_space<vmem>>) offsets(%dma_start3A_6 : memref<128xi32, #tpu.memory_space<vmem>>) semaphore(%arg12 : memref<!tpu.dma_semaphore, #tpu.memory_space<semaphore_mem>>)
    %dma_start3A_10 = arith.constant 0 : i32
    %dma_start3A_11 = arith.constant 0 : i32
    %dma_start3A_12 = tpu.memref_slice %arg11[%dma_start3A_10, %dma_start3A_11] : memref<200x128xf32, #tpu.memory_space<vmem>> -> memref<128x128xf32, #tpu.memory_space<vmem>>
    %dma_start3A_13 = arith.constant 0 : i32
    %dma_start3A_14 = tpu.memref_slice %arg10[%dma_start3A_13] : memref<200xi32, #tpu.memory_space<vmem>> -> memref<128xi32, #tpu.memory_space<vmem>>
    %dma_start3A_15 = arith.constant 0 : i32
    %dma_start3A_16 = arith.constant 0 : i32
    %dma_start3A_17 = tpu.memref_slice %arg4[%dma_start3A_15, %dma_start3A_16] : memref<64x128xf32, #tpu.memory_space<hbm>> -> memref<64x128xf32, #tpu.memory_space<hbm>>
    tpu.enqueue_indirect_dma source(%dma_start3A_17 : memref<64x128xf32, #tpu.memory_space<hbm>>) target(%dma_start3A_12 : memref<128x128xf32, #tpu.memory_space<vmem>>) offsets(%dma_start3A_14 : memref<128xi32, #tpu.memory_space<vmem>>) semaphore(%arg13 : memref<!tpu.dma_semaphore, #tpu.memory_space<semaphore_mem>>)
    %dma_start3A_18 = arith.constant 128 : i32
    %dma_start3A_19 = arith.constant 0 : i32
    %dma_start3A_20 = tpu.memref_slice %arg9[%dma_start3A_18, %dma_start3A_19] : memref<200x128xf32, #tpu.memory_space<vmem>> -> memref<72x128xf32, #tpu.memory_space<vmem>>
    %dma_start3A_21 = arith.constant 128 : i32
    %dma_start3A_22 = tpu.memref_slice %arg8[%dma_start3A_21] : memref<200xi32, #tpu.memory_space<vmem>> -> memref<72xi32, #tpu.memory_space<vmem>>
    %dma_start3A_23 = arith.constant 0 : i32
    %dma_start3A_24 = arith.constant 0 : i32
    %dma_start3A_25 = tpu.memref_slice %arg2[%dma_start3A_23, %dma_start3A_24] : memref<1000x128xf32, #tpu.memory_space<hbm>> -> memref<1000x128xf32, #tpu.memory_space<hbm>>
    tpu.enqueue_indirect_dma source(%dma_start3A_25 : memref<1000x128xf32, #tpu.memory_space<hbm>>) target(%dma_start3A_20 : memref<72x128xf32, #tpu.memory_space<vmem>>) offsets(%dma_start3A_22 : memref<72xi32, #tpu.memory_space<vmem>>) semaphore(%arg12 : memref<!tpu.dma_semaphore, #tpu.memory_space<semaphore_mem>>)
    %dma_start3A_26 = arith.constant 128 : i32
    %dma_start3A_27 = arith.constant 0 : i32
    %dma_start3A_28 = tpu.memref_slice %arg11[%dma_start3A_26, %dma_start3A_27] : memref<200x128xf32, #tpu.memory_space<vmem>> -> memref<72x128xf32, #tpu.memory_space<vmem>>
    %dma_start3A_29 = arith.constant 128 : i32
    %dma_start3A_30 = tpu.memref_slice %arg10[%dma_start3A_29] : memref<200xi32, #tpu.memory_space<vmem>> -> memref<72xi32, #tpu.memory_space<vmem>>
    %dma_start3A_31 = arith.constant 0 : i32
    %dma_start3A_32 = arith.constant 0 : i32
    %dma_start3A_33 = tpu.memref_slice %arg4[%dma_start3A_31, %dma_start3A_32] : memref<64x128xf32, #tpu.memory_space<hbm>> -> memref<64x128xf32, #tpu.memory_space<hbm>>
    tpu.enqueue_indirect_dma source(%dma_start3A_33 : memref<64x128xf32, #tpu.memory_space<hbm>>) target(%dma_start3A_28 : memref<72x128xf32, #tpu.memory_space<vmem>>) offsets(%dma_start3A_30 : memref<72xi32, #tpu.memory_space<vmem>>) semaphore(%arg13 : memref<!tpu.dma_semaphore, #tpu.memory_space<semaphore_mem>>)
    %dma_wait3A = arith.constant 0 : i32
    %dma_wait3A_34 = arith.constant 0 : i32
    %dma_wait3A_35 = tpu.memref_slice %arg9[%dma_wait3A, %dma_wait3A_34] : memref<200x128xf32, #tpu.memory_space<vmem>> -> memref<128x128xf32, #tpu.memory_space<vmem>>
    %dma_wait3A_36 = arith.constant 0 : i32
    %dma_wait3A_37 = tpu.memref_slice %arg8[%dma_wait3A_36] : memref<200xi32, #tpu.memory_space<vmem>> -> memref<128xi32, #tpu.memory_space<vmem>>
    %dma_wait3A_38 = arith.constant 0 : i32
    %dma_wait3A_39 = arith.constant 0 : i32
    %dma_wait3A_40 = tpu.memref_slice %arg2[%dma_wait3A_38, %dma_wait3A_39] : memref<1000x128xf32, #tpu.memory_space<hbm>> -> memref<1000x128xf32, #tpu.memory_space<hbm>>
    tpu.wait_indirect_dma semaphore(%arg12 : memref<!tpu.dma_semaphore, #tpu.memory_space<semaphore_mem>>) src(%dma_wait3A_40 : memref<1000x128xf32, #tpu.memory_space<hbm>>) dst(%dma_wait3A_35 : memref<128x128xf32, #tpu.memory_space<vmem>>)
    %dma_wait3A_41 = arith.constant 0 : i32
    %dma_wait3A_42 = arith.constant 0 : i32
    %dma_wait3A_43 = tpu.memref_slice %arg11[%dma_wait3A_41, %dma_wait3A_42] : memref<200x128xf32, #tpu.memory_space<vmem>> -> memref<128x128xf32, #tpu.memory_space<vmem>>
    %dma_wait3A_44 = arith.constant 0 : i32
    %dma_wait3A_45 = tpu.memref_slice %arg10[%dma_wait3A_44] : memref<200xi32, #tpu.memory_space<vmem>> -> memref<128xi32, #tpu.memory_space<vmem>>
    %dma_wait3A_46 = arith.constant 0 : i32
    %dma_wait3A_47 = arith.constant 0 : i32
    %dma_wait3A_48 = tpu.memref_slice %arg4[%dma_wait3A_46, %dma_wait3A_47] : memref<64x128xf32, #tpu.memory_space<hbm>> -> memref<64x128xf32, #tpu.memory_space<hbm>>
    tpu.wait_indirect_dma semaphore(%arg13 : memref<!tpu.dma_semaphore, #tpu.memory_space<semaphore_mem>>) src(%dma_wait3A_48 : memref<64x128xf32, #tpu.memory_space<hbm>>) dst(%dma_wait3A_43 : memref<128x128xf32, #tpu.memory_space<vmem>>)
    %dma_wait3A_49 = arith.constant 128 : i32
    %dma_wait3A_50 = arith.constant 0 : i32
    %dma_wait3A_51 = tpu.memref_slice %arg9[%dma_wait3A_49, %dma_wait3A_50] : memref<200x128xf32, #tpu.memory_space<vmem>> -> memref<72x128xf32, #tpu.memory_space<vmem>>
    %dma_wait3A_52 = arith.constant 128 : i32
    %dma_wait3A_53 = tpu.memref_slice %arg8[%dma_wait3A_52] : memref<200xi32, #tpu.memory_space<vmem>> -> memref<72xi32, #tpu.memory_space<vmem>>
    %dma_wait3A_54 = arith.constant 0 : i32
    %dma_wait3A_55 = arith.constant 0 : i32
    %dma_wait3A_56 = tpu.memref_slice %arg2[%dma_wait3A_54, %dma_wait3A_55] : memref<1000x128xf32, #tpu.memory_space<hbm>> -> memref<1000x128xf32, #tpu.memory_space<hbm>>
    tpu.wait_indirect_dma semaphore(%arg12 : memref<!tpu.dma_semaphore, #tpu.memory_space<semaphore_mem>>) src(%dma_wait3A_56 : memref<1000x128xf32, #tpu.memory_space<hbm>>) dst(%dma_wait3A_51 : memref<72x128xf32, #tpu.memory_space<vmem>>)
    %dma_wait3A_57 = arith.constant 128 : i32
    %dma_wait3A_58 = arith.constant 0 : i32
    %dma_wait3A_59 = tpu.memref_slice %arg11[%dma_wait3A_57, %dma_wait3A_58] : memref<200x128xf32, #tpu.memory_space<vmem>> -> memref<72x128xf32, #tpu.memory_space<vmem>>
    %dma_wait3A_60 = arith.constant 128 : i32
    %dma_wait3A_61 = tpu.memref_slice %arg10[%dma_wait3A_60] : memref<200xi32, #tpu.memory_space<vmem>> -> memref<72xi32, #tpu.memory_space<vmem>>
    %dma_wait3A_62 = arith.constant 0 : i32
    %dma_wait3A_63 = arith.constant 0 : i32
    %dma_wait3A_64 = tpu.memref_slice %arg4[%dma_wait3A_62, %dma_wait3A_63] : memref<64x128xf32, #tpu.memory_space<hbm>> -> memref<64x128xf32, #tpu.memory_space<hbm>>
    tpu.wait_indirect_dma semaphore(%arg13 : memref<!tpu.dma_semaphore, #tpu.memory_space<semaphore_mem>>) src(%dma_wait3A_64 : memref<64x128xf32, #tpu.memory_space<hbm>>) dst(%dma_wait3A_59 : memref<72x128xf32, #tpu.memory_space<vmem>>)
    "tpu.region"() ({
      %run_scoped3A = tpu.sem_alloc : memref<!tpu.dma_semaphore, #tpu.memory_space<semaphore_mem>>
      %dma_start3A_65 = arith.constant 0 : i32
      %dma_start3A_66 = tpu.memref_slice %arg6[%mul3A_2, %dma_start3A_65] : memref<6400x128xf32, #tpu.memory_space<hbm>> -> memref<200x128xf32, #tpu.memory_space<hbm>>
      %dma_start3A_67 = arith.constant 0 : i32
      %dma_start3A_68 = tpu.memref_slice %arg6[%mul3A_2, %dma_start3A_67] : memref<6400x128xf32, #tpu.memory_space<hbm>> -> memref<200x128xf32, #tpu.memory_space<hbm>>
      tpu.enqueue_dma source(%arg9 : memref<200x128xf32, #tpu.memory_space<vmem>>) target(%dma_start3A_68 : memref<200x128xf32, #tpu.memory_space<hbm>>) target_semaphore(%run_scoped3A : memref<!tpu.dma_semaphore, #tpu.memory_space<semaphore_mem>>)
      %dma_wait3A_69 = arith.constant 0 : i32
      %dma_wait3A_70 = tpu.memref_slice %arg6[%mul3A_2, %dma_wait3A_69] : memref<6400x128xf32, #tpu.memory_space<hbm>> -> memref<200x128xf32, #tpu.memory_space<hbm>>
      %dma_wait3A_71 = arith.constant 0 : i32
      %dma_wait3A_72 = tpu.memref_slice %arg6[%mul3A_2, %dma_wait3A_71] : memref<6400x128xf32, #tpu.memory_space<hbm>> -> memref<200x128xf32, #tpu.memory_space<hbm>>
      tpu.wait_dma2 semaphore(%run_scoped3A : memref<!tpu.dma_semaphore, #tpu.memory_space<semaphore_mem>>) src(%arg9 : memref<200x128xf32, #tpu.memory_space<vmem>>) dst(%dma_wait3A_72 : memref<200x128xf32, #tpu.memory_space<hbm>>)
      tpu.yield
    }) : () -> ()
    "tpu.region"() ({
      %run_scoped3A = tpu.sem_alloc : memref<!tpu.dma_semaphore, #tpu.memory_space<semaphore_mem>>
      %dma_start3A_65 = arith.constant 0 : i32
      %dma_start3A_66 = tpu.memref_slice %arg7[%mul3A_2, %dma_start3A_65] : memref<6400x128xf32, #tpu.memory_space<hbm>> -> memref<200x128xf32, #tpu.memory_space<hbm>>
      %dma_start3A_67 = arith.constant 0 : i32
      %dma_start3A_68 = tpu.memref_slice %arg7[%mul3A_2, %dma_start3A_67] : memref<6400x128xf32, #tpu.memory_space<hbm>> -> memref<200x128xf32, #tpu.memory_space<hbm>>
      tpu.enqueue_dma source(%arg11 : memref<200x128xf32, #tpu.memory_space<vmem>>) target(%dma_start3A_68 : memref<200x128xf32, #tpu.memory_space<hbm>>) target_semaphore(%run_scoped3A : memref<!tpu.dma_semaphore, #tpu.memory_space<semaphore_mem>>)
      %dma_wait3A_69 = arith.constant 0 : i32
      %dma_wait3A_70 = tpu.memref_slice %arg7[%mul3A_2, %dma_wait3A_69] : memref<6400x128xf32, #tpu.memory_space<hbm>> -> memref<200x128xf32, #tpu.memory_space<hbm>>
      %dma_wait3A_71 = arith.constant 0 : i32
      %dma_wait3A_72 = tpu.memref_slice %arg7[%mul3A_2, %dma_wait3A_71] : memref<6400x128xf32, #tpu.memory_space<hbm>> -> memref<200x128xf32, #tpu.memory_space<hbm>>
      tpu.wait_dma2 semaphore(%run_scoped3A : memref<!tpu.dma_semaphore, #tpu.memory_space<semaphore_mem>>) src(%arg11 : memref<200x128xf32, #tpu.memory_space<vmem>>) dst(%dma_wait3A_72 : memref<200x128xf32, #tpu.memory_space<hbm>>)
      tpu.yield
    }) : () -> ()
    return
  }
}

module attributes {stable_mosaic.version = 14 : i64} {
  func.func @_tc_body(%arg0: i32, %arg1: memref<128x50xi32, #tpu.memory_space<vmem>>, %arg2: memref<1x128x128xf32, #tpu.memory_space<vmem>>, %arg3: memref<1x128x128xf32, #tpu.memory_space<vmem>>, %arg4: memref<128x2048xf32, #tpu.memory_space<vmem>>, %arg5: memref<128x2048xf32, #tpu.memory_space<vmem>>, %arg6: memref<512x2048xf32, #tpu.memory_space<vmem>>, %arg7: memref<1x2048xf32, #tpu.memory_space<vmem>>, %arg8: memref<128x512xf32, #tpu.memory_space<vmem>>, %arg9: memref<512x512xf32, #tpu.memory_space<vmem>>, %arg10: memref<128x512xf32, #tpu.memory_space<vmem>>, %arg11: memref<1x512xf32, #tpu.memory_space<vmem>>, %arg12: memref<1x512xf32, #tpu.memory_space<vmem>>, %arg13: memref<1x512xf32, #tpu.memory_space<vmem>>, %arg14: memref<1x128xf32, #tpu.memory_space<vmem>>, %arg15: memref<1x128xf32, #tpu.memory_space<vmem>>, %arg16: memref<1x128x512xf32, #tpu.memory_space<vmem>>, %arg17: memref<128x512xf32, #tpu.memory_space<vmem>>, %arg18: memref<128x512xf32, #tpu.memory_space<vmem>>, %arg19: memref<50x128x256xf32, #tpu.memory_space<vmem>>, %arg20: memref<128x50xi32, #tpu.memory_space<vmem>>, %arg21: memref<128x50xi32, #tpu.memory_space<vmem>>, %arg22: memref<128x256xf32, #tpu.memory_space<vmem>>) attributes {dimension_semantics = [#tpu.dimension_semantics<arbitrary>], iteration_bounds = array<i64: 50>, scalar_prefetch = 0 : i64, scratch_operands = 6 : i64, tpu.core_type = #tpu.core_type<tc>, window_params = [{pipeline_mode = #tpu.pipeline_mode<synchronous>, transform_indices = @transform_0, window_bounds = array<i64: 128, 50>}, {transform_indices = @transform_1, window_bounds = array<i64: 1, 128, 128>}, {transform_indices = @transform_2, window_bounds = array<i64: 1, 128, 128>}, {pipeline_mode = #tpu.pipeline_mode<synchronous>, transform_indices = @transform_3, window_bounds = array<i64: 128, 2048>}, {pipeline_mode = #tpu.pipeline_mode<synchronous>, transform_indices = @transform_4, window_bounds = array<i64: 128, 2048>}, {pipeline_mode = #tpu.pipeline_mode<synchronous>, transform_indices = @transform_5, window_bounds = array<i64: 512, 2048>}, {pipeline_mode = #tpu.pipeline_mode<synchronous>, transform_indices = @transform_6, window_bounds = array<i64: 1, 2048>}, {pipeline_mode = #tpu.pipeline_mode<synchronous>, transform_indices = @transform_7, window_bounds = array<i64: 128, 512>}, {pipeline_mode = #tpu.pipeline_mode<synchronous>, transform_indices = @transform_8, window_bounds = array<i64: 512, 512>}, {pipeline_mode = #tpu.pipeline_mode<synchronous>, transform_indices = @transform_9, window_bounds = array<i64: 128, 512>}, {pipeline_mode = #tpu.pipeline_mode<synchronous>, transform_indices = @transform_10, window_bounds = array<i64: 1, 512>}, {pipeline_mode = #tpu.pipeline_mode<synchronous>, transform_indices = @transform_11, window_bounds = array<i64: 1, 512>}, {pipeline_mode = #tpu.pipeline_mode<synchronous>, transform_indices = @transform_12, window_bounds = array<i64: 1, 512>}, {pipeline_mode = #tpu.pipeline_mode<synchronous>, transform_indices = @transform_13, window_bounds = array<i64: 1, 128>}, {pipeline_mode = #tpu.pipeline_mode<synchronous>, transform_indices = @transform_14, window_bounds = array<i64: 1, 128>}, {transform_indices = @transform_15, window_bounds = array<i64: 1, 128, 512>}]} {
    %iota3A = tpu.iota {dimensions = array<i32: 1>} : vector<128x50xi32>
    %eq3A = arith.constant 0 : i32
    %eq3A_0 = arith.cmpi eq, %arg0, %eq3A : i32
    %convert_element_type3A = arith.extui %eq3A_0 : i1 to i32
    %cond3A = arith.constant 0 : i32
    %cond3A_1 = arith.cmpi ne, %convert_element_type3A, %cond3A : i32
    scf.if %cond3A_1 {
      %get3A_140 = arith.constant 0 : index
      %get3A_141 = arith.constant 0 : index
      %get3A_142 = vector.load %arg12[%get3A_140, %get3A_141] : memref<1x512xf32, #tpu.memory_space<vmem>>, vector<1x512xf32>
      %broadcast_in_dim3A_143 = vector.shape_cast %get3A_142 : vector<1x512xf32> to vector<1x512xf32>
      %broadcast_in_dim3A_144 = vector.broadcast %broadcast_in_dim3A_143 : vector<1x512xf32> to vector<128x512xf32>
      %swap3A_145 = arith.constant 0 : index
      %swap3A_146 = arith.constant 0 : index
      %swap3A_147 = vector.load %arg17[%swap3A_145, %swap3A_146] : memref<128x512xf32, #tpu.memory_space<vmem>>, vector<128x512xf32>
      tpu.vector_store %arg17[%swap3A_145, %swap3A_146], %broadcast_in_dim3A_144 {strides = array<i32>} : memref<128x512xf32, #tpu.memory_space<vmem>>, vector<128x512xf32>,
      %get3A_148 = arith.constant 0 : index
      %get3A_149 = arith.constant 0 : index
      %get3A_150 = vector.load %arg13[%get3A_148, %get3A_149] : memref<1x512xf32, #tpu.memory_space<vmem>>, vector<1x512xf32>
      %broadcast_in_dim3A_151 = vector.shape_cast %get3A_150 : vector<1x512xf32> to vector<1x512xf32>
      %broadcast_in_dim3A_152 = vector.broadcast %broadcast_in_dim3A_151 : vector<1x512xf32> to vector<128x512xf32>
      %swap3A_153 = arith.constant 0 : index
      %swap3A_154 = arith.constant 0 : index
      %swap3A_155 = vector.load %arg18[%swap3A_153, %swap3A_154] : memref<128x512xf32, #tpu.memory_space<vmem>>, vector<128x512xf32>
      tpu.vector_store %arg18[%swap3A_153, %swap3A_154], %broadcast_in_dim3A_152 {strides = array<i32>} : memref<128x512xf32, #tpu.memory_space<vmem>>, vector<128x512xf32>,
      %get3A_156 = arith.constant 0 : index
      %get3A_157 = arith.constant 0 : index
      %get3A_158 = vector.load %arg1[%get3A_156, %get3A_157] : memref<128x50xi32, #tpu.memory_space<vmem>>, vector<128x50xi32>
      %ge3A_159 = arith.constant 64 : i32
      %ge3A_160 = vector.broadcast %ge3A_159 : i32 to vector<128x50xi32>
      %ge3A_161 = arith.cmpi sge, %get3A_158, %ge3A_160 : vector<128x50xi32>
      %jit3A_162 = arith.constant -1 : i32
      %broadcast_in_dim3A_163 = vector.broadcast %jit3A_162 : i32 to vector<128x50xi32>
      %select_n3A_164 = arith.select %ge3A_161, %get3A_158, %broadcast_in_dim3A_163 : vector<128x50xi1>, vector<128x50xi32>
      %broadcast_in_dim3A_165 = arith.constant -1 : i32
      %broadcast_in_dim3A_166 = vector.broadcast %broadcast_in_dim3A_165 : i32 to vector<128x50xi32>
      %slice3A_167 = vector.extract_strided_slice %select_n3A_164 {offsets = [0, 0], sizes = [128, 1], strides = [1, 1]} : vector<128x50xi32> to vector<128x1xi32>
      %eq3A_168 = vector.broadcast %slice3A_167 : vector<128x1xi32> to vector<128x50xi32>
      %eq3A_169 = arith.cmpi eq, %select_n3A_164, %eq3A_168 : vector<128x50xi32>
      %gt3A_170 = arith.constant 0 : i32
      %gt3A_171 = vector.broadcast %gt3A_170 : i32 to vector<128x50xi32>
      %gt3A_172 = arith.cmpi sgt, %iota3A, %gt3A_171 : vector<128x50xi32>
      %and3A = arith.andi %eq3A_169, %gt3A_172 : vector<128x50xi1>
      %ge3A_173 = arith.constant 0 : i32
      %ge3A_174 = vector.broadcast %ge3A_173 : i32 to vector<128x1xi32>
      %ge3A_175 = arith.cmpi sge, %slice3A_167, %ge3A_174 : vector<128x1xi32>
      %and3A_176 = vector.broadcast %ge3A_175 : vector<128x1xi1> to vector<128x50xi1>
      %and3A_177 = arith.andi %and3A, %and3A_176 : vector<128x50xi1>
      %jit3A_178 = arith.constant 0 : i32
      %broadcast_in_dim3A_179 = vector.broadcast %jit3A_178 : i32 to vector<128x50xi32>
      %select_n3A_180 = arith.select %and3A_177, %broadcast_in_dim3A_179, %broadcast_in_dim3A_166 : vector<128x50xi1>, vector<128x50xi32>
      %slice3A_181 = vector.extract_strided_slice %select_n3A_164 {offsets = [0, 1], sizes = [128, 1], strides = [1, 1]} : vector<128x50xi32> to vector<128x1xi32>
      %eq3A_182 = vector.broadcast %slice3A_181 : vector<128x1xi32> to vector<128x50xi32>
      %eq3A_183 = arith.cmpi eq, %select_n3A_164, %eq3A_182 : vector<128x50xi32>
      %gt3A_184 = arith.constant 1 : i32
      %gt3A_185 = vector.broadcast %gt3A_184 : i32 to vector<128x50xi32>
      %gt3A_186 = arith.cmpi sgt, %iota3A, %gt3A_185 : vector<128x50xi32>
      %and3A_187 = arith.andi %eq3A_183, %gt3A_186 : vector<128x50xi1>
      %ge3A_188 = arith.constant 0 : i32
      %ge3A_189 = vector.broadcast %ge3A_188 : i32 to vector<128x1xi32>
      %ge3A_190 = arith.cmpi sge, %slice3A_181, %ge3A_189 : vector<128x1xi32>
      %and3A_191 = vector.broadcast %ge3A_190 : vector<128x1xi1> to vector<128x50xi1>
      %and3A_192 = arith.andi %and3A_187, %and3A_191 : vector<128x50xi1>
      %jit3A_193 = arith.constant 1 : i32
      %broadcast_in_dim3A_194 = vector.broadcast %jit3A_193 : i32 to vector<128x50xi32>
      %select_n3A_195 = arith.select %and3A_192, %broadcast_in_dim3A_194, %select_n3A_180 : vector<128x50xi1>, vector<128x50xi32>
      %slice3A_196 = vector.extract_strided_slice %select_n3A_164 {offsets = [0, 2], sizes = [128, 1], strides = [1, 1]} : vector<128x50xi32> to vector<128x1xi32>
      %eq3A_197 = vector.broadcast %slice3A_196 : vector<128x1xi32> to vector<128x50xi32>
      %eq3A_198 = arith.cmpi eq, %select_n3A_164, %eq3A_197 : vector<128x50xi32>
      %gt3A_199 = arith.constant 2 : i32
      %gt3A_200 = vector.broadcast %gt3A_199 : i32 to vector<128x50xi32>
      %gt3A_201 = arith.cmpi sgt, %iota3A, %gt3A_200 : vector<128x50xi32>
      %and3A_202 = arith.andi %eq3A_198, %gt3A_201 : vector<128x50xi1>
      %ge3A_203 = arith.constant 0 : i32
      %ge3A_204 = vector.broadcast %ge3A_203 : i32 to vector<128x1xi32>
      %ge3A_205 = arith.cmpi sge, %slice3A_196, %ge3A_204 : vector<128x1xi32>
      %and3A_206 = vector.broadcast %ge3A_205 : vector<128x1xi1> to vector<128x50xi1>
      %and3A_207 = arith.andi %and3A_202, %and3A_206 : vector<128x50xi1>
      %jit3A_208 = arith.constant 2 : i32
      %broadcast_in_dim3A_209 = vector.broadcast %jit3A_208 : i32 to vector<128x50xi32>
      %select_n3A_210 = arith.select %and3A_207, %broadcast_in_dim3A_209, %select_n3A_195 : vector<128x50xi1>, vector<128x50xi32>
      %slice3A_211 = vector.extract_strided_slice %select_n3A_164 {offsets = [0, 3], sizes = [128, 1], strides = [1, 1]} : vector<128x50xi32> to vector<128x1xi32>
      %eq3A_212 = vector.broadcast %slice3A_211 : vector<128x1xi32> to vector<128x50xi32>
      %eq3A_213 = arith.cmpi eq, %select_n3A_164, %eq3A_212 : vector<128x50xi32>
      %gt3A_214 = arith.constant 3 : i32
      %gt3A_215 = vector.broadcast %gt3A_214 : i32 to vector<128x50xi32>
      %gt3A_216 = arith.cmpi sgt, %iota3A, %gt3A_215 : vector<128x50xi32>
      %and3A_217 = arith.andi %eq3A_213, %gt3A_216 : vector<128x50xi1>
      %ge3A_218 = arith.constant 0 : i32
      %ge3A_219 = vector.broadcast %ge3A_218 : i32 to vector<128x1xi32>
      %ge3A_220 = arith.cmpi sge, %slice3A_211, %ge3A_219 : vector<128x1xi32>
      %and3A_221 = vector.broadcast %ge3A_220 : vector<128x1xi1> to vector<128x50xi1>
      %and3A_222 = arith.andi %and3A_217, %and3A_221 : vector<128x50xi1>
      %jit3A_223 = arith.constant 3 : i32
      %broadcast_in_dim3A_224 = vector.broadcast %jit3A_223 : i32 to vector<128x50xi32>
      %select_n3A_225 = arith.select %and3A_222, %broadcast_in_dim3A_224, %select_n3A_210 : vector<128x50xi1>, vector<128x50xi32>
      %slice3A_226 = vector.extract_strided_slice %select_n3A_164 {offsets = [0, 4], sizes = [128, 1], strides = [1, 1]} : vector<128x50xi32> to vector<128x1xi32>
      %eq3A_227 = vector.broadcast %slice3A_226 : vector<128x1xi32> to vector<128x50xi32>
      %eq3A_228 = arith.cmpi eq, %select_n3A_164, %eq3A_227 : vector<128x50xi32>
      %gt3A_229 = arith.constant 4 : i32
      %gt3A_230 = vector.broadcast %gt3A_229 : i32 to vector<128x50xi32>
      %gt3A_231 = arith.cmpi sgt, %iota3A, %gt3A_230 : vector<128x50xi32>
      %and3A_232 = arith.andi %eq3A_228, %gt3A_231 : vector<128x50xi1>
      %ge3A_233 = arith.constant 0 : i32
      %ge3A_234 = vector.broadcast %ge3A_233 : i32 to vector<128x1xi32>
      %ge3A_235 = arith.cmpi sge, %slice3A_226, %ge3A_234 : vector<128x1xi32>
      %and3A_236 = vector.broadcast %ge3A_235 : vector<128x1xi1> to vector<128x50xi1>
      %and3A_237 = arith.andi %and3A_232, %and3A_236 : vector<128x50xi1>
      %jit3A_238 = arith.constant 4 : i32
      %broadcast_in_dim3A_239 = vector.broadcast %jit3A_238 : i32 to vector<128x50xi32>
      %select_n3A_240 = arith.select %and3A_237, %broadcast_in_dim3A_239, %select_n3A_225 : vector<128x50xi1>, vector<128x50xi32>
      %slice3A_241 = vector.extract_strided_slice %select_n3A_164 {offsets = [0, 5], sizes = [128, 1], strides = [1, 1]} : vector<128x50xi32> to vector<128x1xi32>
      %eq3A_242 = vector.broadcast %slice3A_241 : vector<128x1xi32> to vector<128x50xi32>
      %eq3A_243 = arith.cmpi eq, %select_n3A_164, %eq3A_242 : vector<128x50xi32>
      %gt3A_244 = arith.constant 5 : i32
      %gt3A_245 = vector.broadcast %gt3A_244 : i32 to vector<128x50xi32>
      %gt3A_246 = arith.cmpi sgt, %iota3A, %gt3A_245 : vector<128x50xi32>
      %and3A_247 = arith.andi %eq3A_243, %gt3A_246 : vector<128x50xi1>
      %ge3A_248 = arith.constant 0 : i32
      %ge3A_249 = vector.broadcast %ge3A_248 : i32 to vector<128x1xi32>
      %ge3A_250 = arith.cmpi sge, %slice3A_241, %ge3A_249 : vector<128x1xi32>
      %and3A_251 = vector.broadcast %ge3A_250 : vector<128x1xi1> to vector<128x50xi1>
      %and3A_252 = arith.andi %and3A_247, %and3A_251 : vector<128x50xi1>
      %jit3A_253 = arith.constant 5 : i32
      %broadcast_in_dim3A_254 = vector.broadcast %jit3A_253 : i32 to vector<128x50xi32>
      %select_n3A_255 = arith.select %and3A_252, %broadcast_in_dim3A_254, %select_n3A_240 : vector<128x50xi1>, vector<128x50xi32>
      %slice3A_256 = vector.extract_strided_slice %select_n3A_164 {offsets = [0, 6], sizes = [128, 1], strides = [1, 1]} : vector<128x50xi32> to vector<128x1xi32>
      %eq3A_257 = vector.broadcast %slice3A_256 : vector<128x1xi32> to vector<128x50xi32>
      %eq3A_258 = arith.cmpi eq, %select_n3A_164, %eq3A_257 : vector<128x50xi32>
      %gt3A_259 = arith.constant 6 : i32
      %gt3A_260 = vector.broadcast %gt3A_259 : i32 to vector<128x50xi32>
      %gt3A_261 = arith.cmpi sgt, %iota3A, %gt3A_260 : vector<128x50xi32>
      %and3A_262 = arith.andi %eq3A_258, %gt3A_261 : vector<128x50xi1>
      %ge3A_263 = arith.constant 0 : i32
      %ge3A_264 = vector.broadcast %ge3A_263 : i32 to vector<128x1xi32>
      %ge3A_265 = arith.cmpi sge, %slice3A_256, %ge3A_264 : vector<128x1xi32>
      %and3A_266 = vector.broadcast %ge3A_265 : vector<128x1xi1> to vector<128x50xi1>
      %and3A_267 = arith.andi %and3A_262, %and3A_266 : vector<128x50xi1>
      %jit3A_268 = arith.constant 6 : i32
      %broadcast_in_dim3A_269 = vector.broadcast %jit3A_268 : i32 to vector<128x50xi32>
      %select_n3A_270 = arith.select %and3A_267, %broadcast_in_dim3A_269, %select_n3A_255 : vector<128x50xi1>, vector<128x50xi32>
      %slice3A_271 = vector.extract_strided_slice %select_n3A_164 {offsets = [0, 7], sizes = [128, 1], strides = [1, 1]} : vector<128x50xi32> to vector<128x1xi32>
      %eq3A_272 = vector.broadcast %slice3A_271 : vector<128x1xi32> to vector<128x50xi32>
      %eq3A_273 = arith.cmpi eq, %select_n3A_164, %eq3A_272 : vector<128x50xi32>
      %gt3A_274 = arith.constant 7 : i32
      %gt3A_275 = vector.broadcast %gt3A_274 : i32 to vector<128x50xi32>
      %gt3A_276 = arith.cmpi sgt, %iota3A, %gt3A_275 : vector<128x50xi32>
      %and3A_277 = arith.andi %eq3A_273, %gt3A_276 : vector<128x50xi1>
      %ge3A_278 = arith.constant 0 : i32
      %ge3A_279 = vector.broadcast %ge3A_278 : i32 to vector<128x1xi32>
      %ge3A_280 = arith.cmpi sge, %slice3A_271, %ge3A_279 : vector<128x1xi32>
      %and3A_281 = vector.broadcast %ge3A_280 : vector<128x1xi1> to vector<128x50xi1>
      %and3A_282 = arith.andi %and3A_277, %and3A_281 : vector<128x50xi1>
      %jit3A_283 = arith.constant 7 : i32
      %broadcast_in_dim3A_284 = vector.broadcast %jit3A_283 : i32 to vector<128x50xi32>
      %select_n3A_285 = arith.select %and3A_282, %broadcast_in_dim3A_284, %select_n3A_270 : vector<128x50xi1>, vector<128x50xi32>
      %slice3A_286 = vector.extract_strided_slice %select_n3A_164 {offsets = [0, 8], sizes = [128, 1], strides = [1, 1]} : vector<128x50xi32> to vector<128x1xi32>
      %eq3A_287 = vector.broadcast %slice3A_286 : vector<128x1xi32> to vector<128x50xi32>
      %eq3A_288 = arith.cmpi eq, %select_n3A_164, %eq3A_287 : vector<128x50xi32>
      %gt3A_289 = arith.constant 8 : i32
      %gt3A_290 = vector.broadcast %gt3A_289 : i32 to vector<128x50xi32>
      %gt3A_291 = arith.cmpi sgt, %iota3A, %gt3A_290 : vector<128x50xi32>
      %and3A_292 = arith.andi %eq3A_288, %gt3A_291 : vector<128x50xi1>
      %ge3A_293 = arith.constant 0 : i32
      %ge3A_294 = vector.broadcast %ge3A_293 : i32 to vector<128x1xi32>
      %ge3A_295 = arith.cmpi sge, %slice3A_286, %ge3A_294 : vector<128x1xi32>
      %and3A_296 = vector.broadcast %ge3A_295 : vector<128x1xi1> to vector<128x50xi1>
      %and3A_297 = arith.andi %and3A_292, %and3A_296 : vector<128x50xi1>
      %jit3A_298 = arith.constant 8 : i32
      %broadcast_in_dim3A_299 = vector.broadcast %jit3A_298 : i32 to vector<128x50xi32>
      %select_n3A_300 = arith.select %and3A_297, %broadcast_in_dim3A_299, %select_n3A_285 : vector<128x50xi1>, vector<128x50xi32>
      %slice3A_301 = vector.extract_strided_slice %select_n3A_164 {offsets = [0, 9], sizes = [128, 1], strides = [1, 1]} : vector<128x50xi32> to vector<128x1xi32>
      %eq3A_302 = vector.broadcast %slice3A_301 : vector<128x1xi32> to vector<128x50xi32>
      %eq3A_303 = arith.cmpi eq, %select_n3A_164, %eq3A_302 : vector<128x50xi32>
      %gt3A_304 = arith.constant 9 : i32
      %gt3A_305 = vector.broadcast %gt3A_304 : i32 to vector<128x50xi32>
      %gt3A_306 = arith.cmpi sgt, %iota3A, %gt3A_305 : vector<128x50xi32>
      %and3A_307 = arith.andi %eq3A_303, %gt3A_306 : vector<128x50xi1>
      %ge3A_308 = arith.constant 0 : i32
      %ge3A_309 = vector.broadcast %ge3A_308 : i32 to vector<128x1xi32>
      %ge3A_310 = arith.cmpi sge, %slice3A_301, %ge3A_309 : vector<128x1xi32>
      %and3A_311 = vector.broadcast %ge3A_310 : vector<128x1xi1> to vector<128x50xi1>
      %and3A_312 = arith.andi %and3A_307, %and3A_311 : vector<128x50xi1>
      %jit3A_313 = arith.constant 9 : i32
      %broadcast_in_dim3A_314 = vector.broadcast %jit3A_313 : i32 to vector<128x50xi32>
      %select_n3A_315 = arith.select %and3A_312, %broadcast_in_dim3A_314, %select_n3A_300 : vector<128x50xi1>, vector<128x50xi32>
      %slice3A_316 = vector.extract_strided_slice %select_n3A_164 {offsets = [0, 10], sizes = [128, 1], strides = [1, 1]} : vector<128x50xi32> to vector<128x1xi32>
      %eq3A_317 = vector.broadcast %slice3A_316 : vector<128x1xi32> to vector<128x50xi32>
      %eq3A_318 = arith.cmpi eq, %select_n3A_164, %eq3A_317 : vector<128x50xi32>
      %gt3A_319 = arith.constant 10 : i32
      %gt3A_320 = vector.broadcast %gt3A_319 : i32 to vector<128x50xi32>
      %gt3A_321 = arith.cmpi sgt, %iota3A, %gt3A_320 : vector<128x50xi32>
      %and3A_322 = arith.andi %eq3A_318, %gt3A_321 : vector<128x50xi1>
      %ge3A_323 = arith.constant 0 : i32
      %ge3A_324 = vector.broadcast %ge3A_323 : i32 to vector<128x1xi32>
      %ge3A_325 = arith.cmpi sge, %slice3A_316, %ge3A_324 : vector<128x1xi32>
      %and3A_326 = vector.broadcast %ge3A_325 : vector<128x1xi1> to vector<128x50xi1>
      %and3A_327 = arith.andi %and3A_322, %and3A_326 : vector<128x50xi1>
      %jit3A_328 = arith.constant 10 : i32
      %broadcast_in_dim3A_329 = vector.broadcast %jit3A_328 : i32 to vector<128x50xi32>
      %select_n3A_330 = arith.select %and3A_327, %broadcast_in_dim3A_329, %select_n3A_315 : vector<128x50xi1>, vector<128x50xi32>
      %slice3A_331 = vector.extract_strided_slice %select_n3A_164 {offsets = [0, 11], sizes = [128, 1], strides = [1, 1]} : vector<128x50xi32> to vector<128x1xi32>
      %eq3A_332 = vector.broadcast %slice3A_331 : vector<128x1xi32> to vector<128x50xi32>
      %eq3A_333 = arith.cmpi eq, %select_n3A_164, %eq3A_332 : vector<128x50xi32>
      %gt3A_334 = arith.constant 11 : i32
      %gt3A_335 = vector.broadcast %gt3A_334 : i32 to vector<128x50xi32>
      %gt3A_336 = arith.cmpi sgt, %iota3A, %gt3A_335 : vector<128x50xi32>
      %and3A_337 = arith.andi %eq3A_333, %gt3A_336 : vector<128x50xi1>
      %ge3A_338 = arith.constant 0 : i32
      %ge3A_339 = vector.broadcast %ge3A_338 : i32 to vector<128x1xi32>
      %ge3A_340 = arith.cmpi sge, %slice3A_331, %ge3A_339 : vector<128x1xi32>
      %and3A_341 = vector.broadcast %ge3A_340 : vector<128x1xi1> to vector<128x50xi1>
      %and3A_342 = arith.andi %and3A_337, %and3A_341 : vector<128x50xi1>
      %jit3A_343 = arith.constant 11 : i32
      %broadcast_in_dim3A_344 = vector.broadcast %jit3A_343 : i32 to vector<128x50xi32>
      %select_n3A_345 = arith.select %and3A_342, %broadcast_in_dim3A_344, %select_n3A_330 : vector<128x50xi1>, vector<128x50xi32>
      %slice3A_346 = vector.extract_strided_slice %select_n3A_164 {offsets = [0, 12], sizes = [128, 1], strides = [1, 1]} : vector<128x50xi32> to vector<128x1xi32>
      %eq3A_347 = vector.broadcast %slice3A_346 : vector<128x1xi32> to vector<128x50xi32>
      %eq3A_348 = arith.cmpi eq, %select_n3A_164, %eq3A_347 : vector<128x50xi32>
      %gt3A_349 = arith.constant 12 : i32
      %gt3A_350 = vector.broadcast %gt3A_349 : i32 to vector<128x50xi32>
      %gt3A_351 = arith.cmpi sgt, %iota3A, %gt3A_350 : vector<128x50xi32>
      %and3A_352 = arith.andi %eq3A_348, %gt3A_351 : vector<128x50xi1>
      %ge3A_353 = arith.constant 0 : i32
      %ge3A_354 = vector.broadcast %ge3A_353 : i32 to vector<128x1xi32>
      %ge3A_355 = arith.cmpi sge, %slice3A_346, %ge3A_354 : vector<128x1xi32>
      %and3A_356 = vector.broadcast %ge3A_355 : vector<128x1xi1> to vector<128x50xi1>
      %and3A_357 = arith.andi %and3A_352, %and3A_356 : vector<128x50xi1>
      %jit3A_358 = arith.constant 12 : i32
      %broadcast_in_dim3A_359 = vector.broadcast %jit3A_358 : i32 to vector<128x50xi32>
      %select_n3A_360 = arith.select %and3A_357, %broadcast_in_dim3A_359, %select_n3A_345 : vector<128x50xi1>, vector<128x50xi32>
      %slice3A_361 = vector.extract_strided_slice %select_n3A_164 {offsets = [0, 13], sizes = [128, 1], strides = [1, 1]} : vector<128x50xi32> to vector<128x1xi32>
      %eq3A_362 = vector.broadcast %slice3A_361 : vector<128x1xi32> to vector<128x50xi32>
      %eq3A_363 = arith.cmpi eq, %select_n3A_164, %eq3A_362 : vector<128x50xi32>
      %gt3A_364 = arith.constant 13 : i32
      %gt3A_365 = vector.broadcast %gt3A_364 : i32 to vector<128x50xi32>
      %gt3A_366 = arith.cmpi sgt, %iota3A, %gt3A_365 : vector<128x50xi32>
      %and3A_367 = arith.andi %eq3A_363, %gt3A_366 : vector<128x50xi1>
      %ge3A_368 = arith.constant 0 : i32
      %ge3A_369 = vector.broadcast %ge3A_368 : i32 to vector<128x1xi32>
      %ge3A_370 = arith.cmpi sge, %slice3A_361, %ge3A_369 : vector<128x1xi32>
      %and3A_371 = vector.broadcast %ge3A_370 : vector<128x1xi1> to vector<128x50xi1>
      %and3A_372 = arith.andi %and3A_367, %and3A_371 : vector<128x50xi1>
      %jit3A_373 = arith.constant 13 : i32
      %broadcast_in_dim3A_374 = vector.broadcast %jit3A_373 : i32 to vector<128x50xi32>
      %select_n3A_375 = arith.select %and3A_372, %broadcast_in_dim3A_374, %select_n3A_360 : vector<128x50xi1>, vector<128x50xi32>
      %slice3A_376 = vector.extract_strided_slice %select_n3A_164 {offsets = [0, 14], sizes = [128, 1], strides = [1, 1]} : vector<128x50xi32> to vector<128x1xi32>
      %eq3A_377 = vector.broadcast %slice3A_376 : vector<128x1xi32> to vector<128x50xi32>
      %eq3A_378 = arith.cmpi eq, %select_n3A_164, %eq3A_377 : vector<128x50xi32>
      %gt3A_379 = arith.constant 14 : i32
      %gt3A_380 = vector.broadcast %gt3A_379 : i32 to vector<128x50xi32>
      %gt3A_381 = arith.cmpi sgt, %iota3A, %gt3A_380 : vector<128x50xi32>
      %and3A_382 = arith.andi %eq3A_378, %gt3A_381 : vector<128x50xi1>
      %ge3A_383 = arith.constant 0 : i32
      %ge3A_384 = vector.broadcast %ge3A_383 : i32 to vector<128x1xi32>
      %ge3A_385 = arith.cmpi sge, %slice3A_376, %ge3A_384 : vector<128x1xi32>
      %and3A_386 = vector.broadcast %ge3A_385 : vector<128x1xi1> to vector<128x50xi1>
      %and3A_387 = arith.andi %and3A_382, %and3A_386 : vector<128x50xi1>
      %jit3A_388 = arith.constant 14 : i32
      %broadcast_in_dim3A_389 = vector.broadcast %jit3A_388 : i32 to vector<128x50xi32>
      %select_n3A_390 = arith.select %and3A_387, %broadcast_in_dim3A_389, %select_n3A_375 : vector<128x50xi1>, vector<128x50xi32>
      %slice3A_391 = vector.extract_strided_slice %select_n3A_164 {offsets = [0, 15], sizes = [128, 1], strides = [1, 1]} : vector<128x50xi32> to vector<128x1xi32>
      %eq3A_392 = vector.broadcast %slice3A_391 : vector<128x1xi32> to vector<128x50xi32>
      %eq3A_393 = arith.cmpi eq, %select_n3A_164, %eq3A_392 : vector<128x50xi32>
      %gt3A_394 = arith.constant 15 : i32
      %gt3A_395 = vector.broadcast %gt3A_394 : i32 to vector<128x50xi32>
      %gt3A_396 = arith.cmpi sgt, %iota3A, %gt3A_395 : vector<128x50xi32>
      %and3A_397 = arith.andi %eq3A_393, %gt3A_396 : vector<128x50xi1>
      %ge3A_398 = arith.constant 0 : i32
      %ge3A_399 = vector.broadcast %ge3A_398 : i32 to vector<128x1xi32>
      %ge3A_400 = arith.cmpi sge, %slice3A_391, %ge3A_399 : vector<128x1xi32>
      %and3A_401 = vector.broadcast %ge3A_400 : vector<128x1xi1> to vector<128x50xi1>
      %and3A_402 = arith.andi %and3A_397, %and3A_401 : vector<128x50xi1>
      %jit3A_403 = arith.constant 15 : i32
      %broadcast_in_dim3A_404 = vector.broadcast %jit3A_403 : i32 to vector<128x50xi32>
      %select_n3A_405 = arith.select %and3A_402, %broadcast_in_dim3A_404, %select_n3A_390 : vector<128x50xi1>, vector<128x50xi32>
      %slice3A_406 = vector.extract_strided_slice %select_n3A_164 {offsets = [0, 16], sizes = [128, 1], strides = [1, 1]} : vector<128x50xi32> to vector<128x1xi32>
      %eq3A_407 = vector.broadcast %slice3A_406 : vector<128x1xi32> to vector<128x50xi32>
      %eq3A_408 = arith.cmpi eq, %select_n3A_164, %eq3A_407 : vector<128x50xi32>
      %gt3A_409 = arith.constant 16 : i32
      %gt3A_410 = vector.broadcast %gt3A_409 : i32 to vector<128x50xi32>
      %gt3A_411 = arith.cmpi sgt, %iota3A, %gt3A_410 : vector<128x50xi32>
      %and3A_412 = arith.andi %eq3A_408, %gt3A_411 : vector<128x50xi1>
      %ge3A_413 = arith.constant 0 : i32
      %ge3A_414 = vector.broadcast %ge3A_413 : i32 to vector<128x1xi32>
      %ge3A_415 = arith.cmpi sge, %slice3A_406, %ge3A_414 : vector<128x1xi32>
      %and3A_416 = vector.broadcast %ge3A_415 : vector<128x1xi1> to vector<128x50xi1>
      %and3A_417 = arith.andi %and3A_412, %and3A_416 : vector<128x50xi1>
      %jit3A_418 = arith.constant 16 : i32
      %broadcast_in_dim3A_419 = vector.broadcast %jit3A_418 : i32 to vector<128x50xi32>
      %select_n3A_420 = arith.select %and3A_417, %broadcast_in_dim3A_419, %select_n3A_405 : vector<128x50xi1>, vector<128x50xi32>
      %slice3A_421 = vector.extract_strided_slice %select_n3A_164 {offsets = [0, 17], sizes = [128, 1], strides = [1, 1]} : vector<128x50xi32> to vector<128x1xi32>
      %eq3A_422 = vector.broadcast %slice3A_421 : vector<128x1xi32> to vector<128x50xi32>
      %eq3A_423 = arith.cmpi eq, %select_n3A_164, %eq3A_422 : vector<128x50xi32>
      %gt3A_424 = arith.constant 17 : i32
      %gt3A_425 = vector.broadcast %gt3A_424 : i32 to vector<128x50xi32>
      %gt3A_426 = arith.cmpi sgt, %iota3A, %gt3A_425 : vector<128x50xi32>
      %and3A_427 = arith.andi %eq3A_423, %gt3A_426 : vector<128x50xi1>
      %ge3A_428 = arith.constant 0 : i32
      %ge3A_429 = vector.broadcast %ge3A_428 : i32 to vector<128x1xi32>
      %ge3A_430 = arith.cmpi sge, %slice3A_421, %ge3A_429 : vector<128x1xi32>
      %and3A_431 = vector.broadcast %ge3A_430 : vector<128x1xi1> to vector<128x50xi1>
      %and3A_432 = arith.andi %and3A_427, %and3A_431 : vector<128x50xi1>
      %jit3A_433 = arith.constant 17 : i32
      %broadcast_in_dim3A_434 = vector.broadcast %jit3A_433 : i32 to vector<128x50xi32>
      %select_n3A_435 = arith.select %and3A_432, %broadcast_in_dim3A_434, %select_n3A_420 : vector<128x50xi1>, vector<128x50xi32>
      %slice3A_436 = vector.extract_strided_slice %select_n3A_164 {offsets = [0, 18], sizes = [128, 1], strides = [1, 1]} : vector<128x50xi32> to vector<128x1xi32>
      %eq3A_437 = vector.broadcast %slice3A_436 : vector<128x1xi32> to vector<128x50xi32>
      %eq3A_438 = arith.cmpi eq, %select_n3A_164, %eq3A_437 : vector<128x50xi32>
      %gt3A_439 = arith.constant 18 : i32
      %gt3A_440 = vector.broadcast %gt3A_439 : i32 to vector<128x50xi32>
      %gt3A_441 = arith.cmpi sgt, %iota3A, %gt3A_440 : vector<128x50xi32>
      %and3A_442 = arith.andi %eq3A_438, %gt3A_441 : vector<128x50xi1>
      %ge3A_443 = arith.constant 0 : i32
      %ge3A_444 = vector.broadcast %ge3A_443 : i32 to vector<128x1xi32>
      %ge3A_445 = arith.cmpi sge, %slice3A_436, %ge3A_444 : vector<128x1xi32>
      %and3A_446 = vector.broadcast %ge3A_445 : vector<128x1xi1> to vector<128x50xi1>
      %and3A_447 = arith.andi %and3A_442, %and3A_446 : vector<128x50xi1>
      %jit3A_448 = arith.constant 18 : i32
      %broadcast_in_dim3A_449 = vector.broadcast %jit3A_448 : i32 to vector<128x50xi32>
      %select_n3A_450 = arith.select %and3A_447, %broadcast_in_dim3A_449, %select_n3A_435 : vector<128x50xi1>, vector<128x50xi32>
      %slice3A_451 = vector.extract_strided_slice %select_n3A_164 {offsets = [0, 19], sizes = [128, 1], strides = [1, 1]} : vector<128x50xi32> to vector<128x1xi32>
      %eq3A_452 = vector.broadcast %slice3A_451 : vector<128x1xi32> to vector<128x50xi32>
      %eq3A_453 = arith.cmpi eq, %select_n3A_164, %eq3A_452 : vector<128x50xi32>
      %gt3A_454 = arith.constant 19 : i32
      %gt3A_455 = vector.broadcast %gt3A_454 : i32 to vector<128x50xi32>
      %gt3A_456 = arith.cmpi sgt, %iota3A, %gt3A_455 : vector<128x50xi32>
      %and3A_457 = arith.andi %eq3A_453, %gt3A_456 : vector<128x50xi1>
      %ge3A_458 = arith.constant 0 : i32
      %ge3A_459 = vector.broadcast %ge3A_458 : i32 to vector<128x1xi32>
      %ge3A_460 = arith.cmpi sge, %slice3A_451, %ge3A_459 : vector<128x1xi32>
      %and3A_461 = vector.broadcast %ge3A_460 : vector<128x1xi1> to vector<128x50xi1>
      %and3A_462 = arith.andi %and3A_457, %and3A_461 : vector<128x50xi1>
      %jit3A_463 = arith.constant 19 : i32
      %broadcast_in_dim3A_464 = vector.broadcast %jit3A_463 : i32 to vector<128x50xi32>
      %select_n3A_465 = arith.select %and3A_462, %broadcast_in_dim3A_464, %select_n3A_450 : vector<128x50xi1>, vector<128x50xi32>
      %slice3A_466 = vector.extract_strided_slice %select_n3A_164 {offsets = [0, 20], sizes = [128, 1], strides = [1, 1]} : vector<128x50xi32> to vector<128x1xi32>
      %eq3A_467 = vector.broadcast %slice3A_466 : vector<128x1xi32> to vector<128x50xi32>
      %eq3A_468 = arith.cmpi eq, %select_n3A_164, %eq3A_467 : vector<128x50xi32>
      %gt3A_469 = arith.constant 20 : i32
      %gt3A_470 = vector.broadcast %gt3A_469 : i32 to vector<128x50xi32>
      %gt3A_471 = arith.cmpi sgt, %iota3A, %gt3A_470 : vector<128x50xi32>
      %and3A_472 = arith.andi %eq3A_468, %gt3A_471 : vector<128x50xi1>
      %ge3A_473 = arith.constant 0 : i32
      %ge3A_474 = vector.broadcast %ge3A_473 : i32 to vector<128x1xi32>
      %ge3A_475 = arith.cmpi sge, %slice3A_466, %ge3A_474 : vector<128x1xi32>
      %and3A_476 = vector.broadcast %ge3A_475 : vector<128x1xi1> to vector<128x50xi1>
      %and3A_477 = arith.andi %and3A_472, %and3A_476 : vector<128x50xi1>
      %jit3A_478 = arith.constant 20 : i32
      %broadcast_in_dim3A_479 = vector.broadcast %jit3A_478 : i32 to vector<128x50xi32>
      %select_n3A_480 = arith.select %and3A_477, %broadcast_in_dim3A_479, %select_n3A_465 : vector<128x50xi1>, vector<128x50xi32>
      %slice3A_481 = vector.extract_strided_slice %select_n3A_164 {offsets = [0, 21], sizes = [128, 1], strides = [1, 1]} : vector<128x50xi32> to vector<128x1xi32>
      %eq3A_482 = vector.broadcast %slice3A_481 : vector<128x1xi32> to vector<128x50xi32>
      %eq3A_483 = arith.cmpi eq, %select_n3A_164, %eq3A_482 : vector<128x50xi32>
      %gt3A_484 = arith.constant 21 : i32
      %gt3A_485 = vector.broadcast %gt3A_484 : i32 to vector<128x50xi32>
      %gt3A_486 = arith.cmpi sgt, %iota3A, %gt3A_485 : vector<128x50xi32>
      %and3A_487 = arith.andi %eq3A_483, %gt3A_486 : vector<128x50xi1>
      %ge3A_488 = arith.constant 0 : i32
      %ge3A_489 = vector.broadcast %ge3A_488 : i32 to vector<128x1xi32>
      %ge3A_490 = arith.cmpi sge, %slice3A_481, %ge3A_489 : vector<128x1xi32>
      %and3A_491 = vector.broadcast %ge3A_490 : vector<128x1xi1> to vector<128x50xi1>
      %and3A_492 = arith.andi %and3A_487, %and3A_491 : vector<128x50xi1>
      %jit3A_493 = arith.constant 21 : i32
      %broadcast_in_dim3A_494 = vector.broadcast %jit3A_493 : i32 to vector<128x50xi32>
      %select_n3A_495 = arith.select %and3A_492, %broadcast_in_dim3A_494, %select_n3A_480 : vector<128x50xi1>, vector<128x50xi32>
      %slice3A_496 = vector.extract_strided_slice %select_n3A_164 {offsets = [0, 22], sizes = [128, 1], strides = [1, 1]} : vector<128x50xi32> to vector<128x1xi32>
      %eq3A_497 = vector.broadcast %slice3A_496 : vector<128x1xi32> to vector<128x50xi32>
      %eq3A_498 = arith.cmpi eq, %select_n3A_164, %eq3A_497 : vector<128x50xi32>
      %gt3A_499 = arith.constant 22 : i32
      %gt3A_500 = vector.broadcast %gt3A_499 : i32 to vector<128x50xi32>
      %gt3A_501 = arith.cmpi sgt, %iota3A, %gt3A_500 : vector<128x50xi32>
      %and3A_502 = arith.andi %eq3A_498, %gt3A_501 : vector<128x50xi1>
      %ge3A_503 = arith.constant 0 : i32
      %ge3A_504 = vector.broadcast %ge3A_503 : i32 to vector<128x1xi32>
      %ge3A_505 = arith.cmpi sge, %slice3A_496, %ge3A_504 : vector<128x1xi32>
      %and3A_506 = vector.broadcast %ge3A_505 : vector<128x1xi1> to vector<128x50xi1>
      %and3A_507 = arith.andi %and3A_502, %and3A_506 : vector<128x50xi1>
      %jit3A_508 = arith.constant 22 : i32
      %broadcast_in_dim3A_509 = vector.broadcast %jit3A_508 : i32 to vector<128x50xi32>
      %select_n3A_510 = arith.select %and3A_507, %broadcast_in_dim3A_509, %select_n3A_495 : vector<128x50xi1>, vector<128x50xi32>
      %slice3A_511 = vector.extract_strided_slice %select_n3A_164 {offsets = [0, 23], sizes = [128, 1], strides = [1, 1]} : vector<128x50xi32> to vector<128x1xi32>
      %eq3A_512 = vector.broadcast %slice3A_511 : vector<128x1xi32> to vector<128x50xi32>
      %eq3A_513 = arith.cmpi eq, %select_n3A_164, %eq3A_512 : vector<128x50xi32>
      %gt3A_514 = arith.constant 23 : i32
      %gt3A_515 = vector.broadcast %gt3A_514 : i32 to vector<128x50xi32>
      %gt3A_516 = arith.cmpi sgt, %iota3A, %gt3A_515 : vector<128x50xi32>
      %and3A_517 = arith.andi %eq3A_513, %gt3A_516 : vector<128x50xi1>
      %ge3A_518 = arith.constant 0 : i32
      %ge3A_519 = vector.broadcast %ge3A_518 : i32 to vector<128x1xi32>
      %ge3A_520 = arith.cmpi sge, %slice3A_511, %ge3A_519 : vector<128x1xi32>
      %and3A_521 = vector.broadcast %ge3A_520 : vector<128x1xi1> to vector<128x50xi1>
      %and3A_522 = arith.andi %and3A_517, %and3A_521 : vector<128x50xi1>
      %jit3A_523 = arith.constant 23 : i32
      %broadcast_in_dim3A_524 = vector.broadcast %jit3A_523 : i32 to vector<128x50xi32>
      %select_n3A_525 = arith.select %and3A_522, %broadcast_in_dim3A_524, %select_n3A_510 : vector<128x50xi1>, vector<128x50xi32>
      %slice3A_526 = vector.extract_strided_slice %select_n3A_164 {offsets = [0, 24], sizes = [128, 1], strides = [1, 1]} : vector<128x50xi32> to vector<128x1xi32>
      %eq3A_527 = vector.broadcast %slice3A_526 : vector<128x1xi32> to vector<128x50xi32>
      %eq3A_528 = arith.cmpi eq, %select_n3A_164, %eq3A_527 : vector<128x50xi32>
      %gt3A_529 = arith.constant 24 : i32
      %gt3A_530 = vector.broadcast %gt3A_529 : i32 to vector<128x50xi32>
      %gt3A_531 = arith.cmpi sgt, %iota3A, %gt3A_530 : vector<128x50xi32>
      %and3A_532 = arith.andi %eq3A_528, %gt3A_531 : vector<128x50xi1>
      %ge3A_533 = arith.constant 0 : i32
      %ge3A_534 = vector.broadcast %ge3A_533 : i32 to vector<128x1xi32>
      %ge3A_535 = arith.cmpi sge, %slice3A_526, %ge3A_534 : vector<128x1xi32>
      %and3A_536 = vector.broadcast %ge3A_535 : vector<128x1xi1> to vector<128x50xi1>
      %and3A_537 = arith.andi %and3A_532, %and3A_536 : vector<128x50xi1>
      %jit3A_538 = arith.constant 24 : i32
      %broadcast_in_dim3A_539 = vector.broadcast %jit3A_538 : i32 to vector<128x50xi32>
      %select_n3A_540 = arith.select %and3A_537, %broadcast_in_dim3A_539, %select_n3A_525 : vector<128x50xi1>, vector<128x50xi32>
      %slice3A_541 = vector.extract_strided_slice %select_n3A_164 {offsets = [0, 25], sizes = [128, 1], strides = [1, 1]} : vector<128x50xi32> to vector<128x1xi32>
      %eq3A_542 = vector.broadcast %slice3A_541 : vector<128x1xi32> to vector<128x50xi32>
      %eq3A_543 = arith.cmpi eq, %select_n3A_164, %eq3A_542 : vector<128x50xi32>
      %gt3A_544 = arith.constant 25 : i32
      %gt3A_545 = vector.broadcast %gt3A_544 : i32 to vector<128x50xi32>
      %gt3A_546 = arith.cmpi sgt, %iota3A, %gt3A_545 : vector<128x50xi32>
      %and3A_547 = arith.andi %eq3A_543, %gt3A_546 : vector<128x50xi1>
      %ge3A_548 = arith.constant 0 : i32
      %ge3A_549 = vector.broadcast %ge3A_548 : i32 to vector<128x1xi32>
      %ge3A_550 = arith.cmpi sge, %slice3A_541, %ge3A_549 : vector<128x1xi32>
      %and3A_551 = vector.broadcast %ge3A_550 : vector<128x1xi1> to vector<128x50xi1>
      %and3A_552 = arith.andi %and3A_547, %and3A_551 : vector<128x50xi1>
      %jit3A_553 = arith.constant 25 : i32
      %broadcast_in_dim3A_554 = vector.broadcast %jit3A_553 : i32 to vector<128x50xi32>
      %select_n3A_555 = arith.select %and3A_552, %broadcast_in_dim3A_554, %select_n3A_540 : vector<128x50xi1>, vector<128x50xi32>
      %slice3A_556 = vector.extract_strided_slice %select_n3A_164 {offsets = [0, 26], sizes = [128, 1], strides = [1, 1]} : vector<128x50xi32> to vector<128x1xi32>
      %eq3A_557 = vector.broadcast %slice3A_556 : vector<128x1xi32> to vector<128x50xi32>
      %eq3A_558 = arith.cmpi eq, %select_n3A_164, %eq3A_557 : vector<128x50xi32>
      %gt3A_559 = arith.constant 26 : i32
      %gt3A_560 = vector.broadcast %gt3A_559 : i32 to vector<128x50xi32>
      %gt3A_561 = arith.cmpi sgt, %iota3A, %gt3A_560 : vector<128x50xi32>
      %and3A_562 = arith.andi %eq3A_558, %gt3A_561 : vector<128x50xi1>
      %ge3A_563 = arith.constant 0 : i32
      %ge3A_564 = vector.broadcast %ge3A_563 : i32 to vector<128x1xi32>
      %ge3A_565 = arith.cmpi sge, %slice3A_556, %ge3A_564 : vector<128x1xi32>
      %and3A_566 = vector.broadcast %ge3A_565 : vector<128x1xi1> to vector<128x50xi1>
      %and3A_567 = arith.andi %and3A_562, %and3A_566 : vector<128x50xi1>
      %jit3A_568 = arith.constant 26 : i32
      %broadcast_in_dim3A_569 = vector.broadcast %jit3A_568 : i32 to vector<128x50xi32>
      %select_n3A_570 = arith.select %and3A_567, %broadcast_in_dim3A_569, %select_n3A_555 : vector<128x50xi1>, vector<128x50xi32>
      %slice3A_571 = vector.extract_strided_slice %select_n3A_164 {offsets = [0, 27], sizes = [128, 1], strides = [1, 1]} : vector<128x50xi32> to vector<128x1xi32>
      %eq3A_572 = vector.broadcast %slice3A_571 : vector<128x1xi32> to vector<128x50xi32>
      %eq3A_573 = arith.cmpi eq, %select_n3A_164, %eq3A_572 : vector<128x50xi32>
      %gt3A_574 = arith.constant 27 : i32
      %gt3A_575 = vector.broadcast %gt3A_574 : i32 to vector<128x50xi32>
      %gt3A_576 = arith.cmpi sgt, %iota3A, %gt3A_575 : vector<128x50xi32>
      %and3A_577 = arith.andi %eq3A_573, %gt3A_576 : vector<128x50xi1>
      %ge3A_578 = arith.constant 0 : i32
      %ge3A_579 = vector.broadcast %ge3A_578 : i32 to vector<128x1xi32>
      %ge3A_580 = arith.cmpi sge, %slice3A_571, %ge3A_579 : vector<128x1xi32>
      %and3A_581 = vector.broadcast %ge3A_580 : vector<128x1xi1> to vector<128x50xi1>
      %and3A_582 = arith.andi %and3A_577, %and3A_581 : vector<128x50xi1>
      %jit3A_583 = arith.constant 27 : i32
      %broadcast_in_dim3A_584 = vector.broadcast %jit3A_583 : i32 to vector<128x50xi32>
      %select_n3A_585 = arith.select %and3A_582, %broadcast_in_dim3A_584, %select_n3A_570 : vector<128x50xi1>, vector<128x50xi32>
      %slice3A_586 = vector.extract_strided_slice %select_n3A_164 {offsets = [0, 28], sizes = [128, 1], strides = [1, 1]} : vector<128x50xi32> to vector<128x1xi32>
      %eq3A_587 = vector.broadcast %slice3A_586 : vector<128x1xi32> to vector<128x50xi32>
      %eq3A_588 = arith.cmpi eq, %select_n3A_164, %eq3A_587 : vector<128x50xi32>
      %gt3A_589 = arith.constant 28 : i32
      %gt3A_590 = vector.broadcast %gt3A_589 : i32 to vector<128x50xi32>
      %gt3A_591 = arith.cmpi sgt, %iota3A, %gt3A_590 : vector<128x50xi32>
      %and3A_592 = arith.andi %eq3A_588, %gt3A_591 : vector<128x50xi1>
      %ge3A_593 = arith.constant 0 : i32
      %ge3A_594 = vector.broadcast %ge3A_593 : i32 to vector<128x1xi32>
      %ge3A_595 = arith.cmpi sge, %slice3A_586, %ge3A_594 : vector<128x1xi32>
      %and3A_596 = vector.broadcast %ge3A_595 : vector<128x1xi1> to vector<128x50xi1>
      %and3A_597 = arith.andi %and3A_592, %and3A_596 : vector<128x50xi1>
      %jit3A_598 = arith.constant 28 : i32
      %broadcast_in_dim3A_599 = vector.broadcast %jit3A_598 : i32 to vector<128x50xi32>
      %select_n3A_600 = arith.select %and3A_597, %broadcast_in_dim3A_599, %select_n3A_585 : vector<128x50xi1>, vector<128x50xi32>
      %slice3A_601 = vector.extract_strided_slice %select_n3A_164 {offsets = [0, 29], sizes = [128, 1], strides = [1, 1]} : vector<128x50xi32> to vector<128x1xi32>
      %eq3A_602 = vector.broadcast %slice3A_601 : vector<128x1xi32> to vector<128x50xi32>
      %eq3A_603 = arith.cmpi eq, %select_n3A_164, %eq3A_602 : vector<128x50xi32>
      %gt3A_604 = arith.constant 29 : i32
      %gt3A_605 = vector.broadcast %gt3A_604 : i32 to vector<128x50xi32>
      %gt3A_606 = arith.cmpi sgt, %iota3A, %gt3A_605 : vector<128x50xi32>
      %and3A_607 = arith.andi %eq3A_603, %gt3A_606 : vector<128x50xi1>
      %ge3A_608 = arith.constant 0 : i32
      %ge3A_609 = vector.broadcast %ge3A_608 : i32 to vector<128x1xi32>
      %ge3A_610 = arith.cmpi sge, %slice3A_601, %ge3A_609 : vector<128x1xi32>
      %and3A_611 = vector.broadcast %ge3A_610 : vector<128x1xi1> to vector<128x50xi1>
      %and3A_612 = arith.andi %and3A_607, %and3A_611 : vector<128x50xi1>
      %jit3A_613 = arith.constant 29 : i32
      %broadcast_in_dim3A_614 = vector.broadcast %jit3A_613 : i32 to vector<128x50xi32>
      %select_n3A_615 = arith.select %and3A_612, %broadcast_in_dim3A_614, %select_n3A_600 : vector<128x50xi1>, vector<128x50xi32>
      %slice3A_616 = vector.extract_strided_slice %select_n3A_164 {offsets = [0, 30], sizes = [128, 1], strides = [1, 1]} : vector<128x50xi32> to vector<128x1xi32>
      %eq3A_617 = vector.broadcast %slice3A_616 : vector<128x1xi32> to vector<128x50xi32>
      %eq3A_618 = arith.cmpi eq, %select_n3A_164, %eq3A_617 : vector<128x50xi32>
      %gt3A_619 = arith.constant 30 : i32
      %gt3A_620 = vector.broadcast %gt3A_619 : i32 to vector<128x50xi32>
      %gt3A_621 = arith.cmpi sgt, %iota3A, %gt3A_620 : vector<128x50xi32>
      %and3A_622 = arith.andi %eq3A_618, %gt3A_621 : vector<128x50xi1>
      %ge3A_623 = arith.constant 0 : i32
      %ge3A_624 = vector.broadcast %ge3A_623 : i32 to vector<128x1xi32>
      %ge3A_625 = arith.cmpi sge, %slice3A_616, %ge3A_624 : vector<128x1xi32>
      %and3A_626 = vector.broadcast %ge3A_625 : vector<128x1xi1> to vector<128x50xi1>
      %and3A_627 = arith.andi %and3A_622, %and3A_626 : vector<128x50xi1>
      %jit3A_628 = arith.constant 30 : i32
      %broadcast_in_dim3A_629 = vector.broadcast %jit3A_628 : i32 to vector<128x50xi32>
      %select_n3A_630 = arith.select %and3A_627, %broadcast_in_dim3A_629, %select_n3A_615 : vector<128x50xi1>, vector<128x50xi32>
      %slice3A_631 = vector.extract_strided_slice %select_n3A_164 {offsets = [0, 31], sizes = [128, 1], strides = [1, 1]} : vector<128x50xi32> to vector<128x1xi32>
      %eq3A_632 = vector.broadcast %slice3A_631 : vector<128x1xi32> to vector<128x50xi32>
      %eq3A_633 = arith.cmpi eq, %select_n3A_164, %eq3A_632 : vector<128x50xi32>
      %gt3A_634 = arith.constant 31 : i32
      %gt3A_635 = vector.broadcast %gt3A_634 : i32 to vector<128x50xi32>
      %gt3A_636 = arith.cmpi sgt, %iota3A, %gt3A_635 : vector<128x50xi32>
      %and3A_637 = arith.andi %eq3A_633, %gt3A_636 : vector<128x50xi1>
      %ge3A_638 = arith.constant 0 : i32
      %ge3A_639 = vector.broadcast %ge3A_638 : i32 to vector<128x1xi32>
      %ge3A_640 = arith.cmpi sge, %slice3A_631, %ge3A_639 : vector<128x1xi32>
      %and3A_641 = vector.broadcast %ge3A_640 : vector<128x1xi1> to vector<128x50xi1>
      %and3A_642 = arith.andi %and3A_637, %and3A_641 : vector<128x50xi1>
      %jit3A_643 = arith.constant 31 : i32
      %broadcast_in_dim3A_644 = vector.broadcast %jit3A_643 : i32 to vector<128x50xi32>
      %select_n3A_645 = arith.select %and3A_642, %broadcast_in_dim3A_644, %select_n3A_630 : vector<128x50xi1>, vector<128x50xi32>
      %slice3A_646 = vector.extract_strided_slice %select_n3A_164 {offsets = [0, 32], sizes = [128, 1], strides = [1, 1]} : vector<128x50xi32> to vector<128x1xi32>
      %eq3A_647 = vector.broadcast %slice3A_646 : vector<128x1xi32> to vector<128x50xi32>
      %eq3A_648 = arith.cmpi eq, %select_n3A_164, %eq3A_647 : vector<128x50xi32>
      %gt3A_649 = arith.constant 32 : i32
      %gt3A_650 = vector.broadcast %gt3A_649 : i32 to vector<128x50xi32>
      %gt3A_651 = arith.cmpi sgt, %iota3A, %gt3A_650 : vector<128x50xi32>
      %and3A_652 = arith.andi %eq3A_648, %gt3A_651 : vector<128x50xi1>
      %ge3A_653 = arith.constant 0 : i32
      %ge3A_654 = vector.broadcast %ge3A_653 : i32 to vector<128x1xi32>
      %ge3A_655 = arith.cmpi sge, %slice3A_646, %ge3A_654 : vector<128x1xi32>
      %and3A_656 = vector.broadcast %ge3A_655 : vector<128x1xi1> to vector<128x50xi1>
      %and3A_657 = arith.andi %and3A_652, %and3A_656 : vector<128x50xi1>
      %jit3A_658 = arith.constant 32 : i32
      %broadcast_in_dim3A_659 = vector.broadcast %jit3A_658 : i32 to vector<128x50xi32>
      %select_n3A_660 = arith.select %and3A_657, %broadcast_in_dim3A_659, %select_n3A_645 : vector<128x50xi1>, vector<128x50xi32>
      %slice3A_661 = vector.extract_strided_slice %select_n3A_164 {offsets = [0, 33], sizes = [128, 1], strides = [1, 1]} : vector<128x50xi32> to vector<128x1xi32>
      %eq3A_662 = vector.broadcast %slice3A_661 : vector<128x1xi32> to vector<128x50xi32>
      %eq3A_663 = arith.cmpi eq, %select_n3A_164, %eq3A_662 : vector<128x50xi32>
      %gt3A_664 = arith.constant 33 : i32
      %gt3A_665 = vector.broadcast %gt3A_664 : i32 to vector<128x50xi32>
      %gt3A_666 = arith.cmpi sgt, %iota3A, %gt3A_665 : vector<128x50xi32>
      %and3A_667 = arith.andi %eq3A_663, %gt3A_666 : vector<128x50xi1>
      %ge3A_668 = arith.constant 0 : i32
      %ge3A_669 = vector.broadcast %ge3A_668 : i32 to vector<128x1xi32>
      %ge3A_670 = arith.cmpi sge, %slice3A_661, %ge3A_669 : vector<128x1xi32>
      %and3A_671 = vector.broadcast %ge3A_670 : vector<128x1xi1> to vector<128x50xi1>
      %and3A_672 = arith.andi %and3A_667, %and3A_671 : vector<128x50xi1>
      %jit3A_673 = arith.constant 33 : i32
      %broadcast_in_dim3A_674 = vector.broadcast %jit3A_673 : i32 to vector<128x50xi32>
      %select_n3A_675 = arith.select %and3A_672, %broadcast_in_dim3A_674, %select_n3A_660 : vector<128x50xi1>, vector<128x50xi32>
      %slice3A_676 = vector.extract_strided_slice %select_n3A_164 {offsets = [0, 34], sizes = [128, 1], strides = [1, 1]} : vector<128x50xi32> to vector<128x1xi32>
      %eq3A_677 = vector.broadcast %slice3A_676 : vector<128x1xi32> to vector<128x50xi32>
      %eq3A_678 = arith.cmpi eq, %select_n3A_164, %eq3A_677 : vector<128x50xi32>
      %gt3A_679 = arith.constant 34 : i32
      %gt3A_680 = vector.broadcast %gt3A_679 : i32 to vector<128x50xi32>
      %gt3A_681 = arith.cmpi sgt, %iota3A, %gt3A_680 : vector<128x50xi32>
      %and3A_682 = arith.andi %eq3A_678, %gt3A_681 : vector<128x50xi1>
      %ge3A_683 = arith.constant 0 : i32
      %ge3A_684 = vector.broadcast %ge3A_683 : i32 to vector<128x1xi32>
      %ge3A_685 = arith.cmpi sge, %slice3A_676, %ge3A_684 : vector<128x1xi32>
      %and3A_686 = vector.broadcast %ge3A_685 : vector<128x1xi1> to vector<128x50xi1>
      %and3A_687 = arith.andi %and3A_682, %and3A_686 : vector<128x50xi1>
      %jit3A_688 = arith.constant 34 : i32
      %broadcast_in_dim3A_689 = vector.broadcast %jit3A_688 : i32 to vector<128x50xi32>
      %select_n3A_690 = arith.select %and3A_687, %broadcast_in_dim3A_689, %select_n3A_675 : vector<128x50xi1>, vector<128x50xi32>
      %slice3A_691 = vector.extract_strided_slice %select_n3A_164 {offsets = [0, 35], sizes = [128, 1], strides = [1, 1]} : vector<128x50xi32> to vector<128x1xi32>
      %eq3A_692 = vector.broadcast %slice3A_691 : vector<128x1xi32> to vector<128x50xi32>
      %eq3A_693 = arith.cmpi eq, %select_n3A_164, %eq3A_692 : vector<128x50xi32>
      %gt3A_694 = arith.constant 35 : i32
      %gt3A_695 = vector.broadcast %gt3A_694 : i32 to vector<128x50xi32>
      %gt3A_696 = arith.cmpi sgt, %iota3A, %gt3A_695 : vector<128x50xi32>
      %and3A_697 = arith.andi %eq3A_693, %gt3A_696 : vector<128x50xi1>
      %ge3A_698 = arith.constant 0 : i32
      %ge3A_699 = vector.broadcast %ge3A_698 : i32 to vector<128x1xi32>
      %ge3A_700 = arith.cmpi sge, %slice3A_691, %ge3A_699 : vector<128x1xi32>
      %and3A_701 = vector.broadcast %ge3A_700 : vector<128x1xi1> to vector<128x50xi1>
      %and3A_702 = arith.andi %and3A_697, %and3A_701 : vector<128x50xi1>
      %jit3A_703 = arith.constant 35 : i32
      %broadcast_in_dim3A_704 = vector.broadcast %jit3A_703 : i32 to vector<128x50xi32>
      %select_n3A_705 = arith.select %and3A_702, %broadcast_in_dim3A_704, %select_n3A_690 : vector<128x50xi1>, vector<128x50xi32>
      %slice3A_706 = vector.extract_strided_slice %select_n3A_164 {offsets = [0, 36], sizes = [128, 1], strides = [1, 1]} : vector<128x50xi32> to vector<128x1xi32>
      %eq3A_707 = vector.broadcast %slice3A_706 : vector<128x1xi32> to vector<128x50xi32>
      %eq3A_708 = arith.cmpi eq, %select_n3A_164, %eq3A_707 : vector<128x50xi32>
      %gt3A_709 = arith.constant 36 : i32
      %gt3A_710 = vector.broadcast %gt3A_709 : i32 to vector<128x50xi32>
      %gt3A_711 = arith.cmpi sgt, %iota3A, %gt3A_710 : vector<128x50xi32>
      %and3A_712 = arith.andi %eq3A_708, %gt3A_711 : vector<128x50xi1>
      %ge3A_713 = arith.constant 0 : i32
      %ge3A_714 = vector.broadcast %ge3A_713 : i32 to vector<128x1xi32>
      %ge3A_715 = arith.cmpi sge, %slice3A_706, %ge3A_714 : vector<128x1xi32>
      %and3A_716 = vector.broadcast %ge3A_715 : vector<128x1xi1> to vector<128x50xi1>
      %and3A_717 = arith.andi %and3A_712, %and3A_716 : vector<128x50xi1>
      %jit3A_718 = arith.constant 36 : i32
      %broadcast_in_dim3A_719 = vector.broadcast %jit3A_718 : i32 to vector<128x50xi32>
      %select_n3A_720 = arith.select %and3A_717, %broadcast_in_dim3A_719, %select_n3A_705 : vector<128x50xi1>, vector<128x50xi32>
      %slice3A_721 = vector.extract_strided_slice %select_n3A_164 {offsets = [0, 37], sizes = [128, 1], strides = [1, 1]} : vector<128x50xi32> to vector<128x1xi32>
      %eq3A_722 = vector.broadcast %slice3A_721 : vector<128x1xi32> to vector<128x50xi32>
      %eq3A_723 = arith.cmpi eq, %select_n3A_164, %eq3A_722 : vector<128x50xi32>
      %gt3A_724 = arith.constant 37 : i32
      %gt3A_725 = vector.broadcast %gt3A_724 : i32 to vector<128x50xi32>
      %gt3A_726 = arith.cmpi sgt, %iota3A, %gt3A_725 : vector<128x50xi32>
      %and3A_727 = arith.andi %eq3A_723, %gt3A_726 : vector<128x50xi1>
      %ge3A_728 = arith.constant 0 : i32
      %ge3A_729 = vector.broadcast %ge3A_728 : i32 to vector<128x1xi32>
      %ge3A_730 = arith.cmpi sge, %slice3A_721, %ge3A_729 : vector<128x1xi32>
      %and3A_731 = vector.broadcast %ge3A_730 : vector<128x1xi1> to vector<128x50xi1>
      %and3A_732 = arith.andi %and3A_727, %and3A_731 : vector<128x50xi1>
      %jit3A_733 = arith.constant 37 : i32
      %broadcast_in_dim3A_734 = vector.broadcast %jit3A_733 : i32 to vector<128x50xi32>
      %select_n3A_735 = arith.select %and3A_732, %broadcast_in_dim3A_734, %select_n3A_720 : vector<128x50xi1>, vector<128x50xi32>
      %slice3A_736 = vector.extract_strided_slice %select_n3A_164 {offsets = [0, 38], sizes = [128, 1], strides = [1, 1]} : vector<128x50xi32> to vector<128x1xi32>
      %eq3A_737 = vector.broadcast %slice3A_736 : vector<128x1xi32> to vector<128x50xi32>
      %eq3A_738 = arith.cmpi eq, %select_n3A_164, %eq3A_737 : vector<128x50xi32>
      %gt3A_739 = arith.constant 38 : i32
      %gt3A_740 = vector.broadcast %gt3A_739 : i32 to vector<128x50xi32>
      %gt3A_741 = arith.cmpi sgt, %iota3A, %gt3A_740 : vector<128x50xi32>
      %and3A_742 = arith.andi %eq3A_738, %gt3A_741 : vector<128x50xi1>
      %ge3A_743 = arith.constant 0 : i32
      %ge3A_744 = vector.broadcast %ge3A_743 : i32 to vector<128x1xi32>
      %ge3A_745 = arith.cmpi sge, %slice3A_736, %ge3A_744 : vector<128x1xi32>
      %and3A_746 = vector.broadcast %ge3A_745 : vector<128x1xi1> to vector<128x50xi1>
      %and3A_747 = arith.andi %and3A_742, %and3A_746 : vector<128x50xi1>
      %jit3A_748 = arith.constant 38 : i32
      %broadcast_in_dim3A_749 = vector.broadcast %jit3A_748 : i32 to vector<128x50xi32>
      %select_n3A_750 = arith.select %and3A_747, %broadcast_in_dim3A_749, %select_n3A_735 : vector<128x50xi1>, vector<128x50xi32>
      %slice3A_751 = vector.extract_strided_slice %select_n3A_164 {offsets = [0, 39], sizes = [128, 1], strides = [1, 1]} : vector<128x50xi32> to vector<128x1xi32>
      %eq3A_752 = vector.broadcast %slice3A_751 : vector<128x1xi32> to vector<128x50xi32>
      %eq3A_753 = arith.cmpi eq, %select_n3A_164, %eq3A_752 : vector<128x50xi32>
      %gt3A_754 = arith.constant 39 : i32
      %gt3A_755 = vector.broadcast %gt3A_754 : i32 to vector<128x50xi32>
      %gt3A_756 = arith.cmpi sgt, %iota3A, %gt3A_755 : vector<128x50xi32>
      %and3A_757 = arith.andi %eq3A_753, %gt3A_756 : vector<128x50xi1>
      %ge3A_758 = arith.constant 0 : i32
      %ge3A_759 = vector.broadcast %ge3A_758 : i32 to vector<128x1xi32>
      %ge3A_760 = arith.cmpi sge, %slice3A_751, %ge3A_759 : vector<128x1xi32>
      %and3A_761 = vector.broadcast %ge3A_760 : vector<128x1xi1> to vector<128x50xi1>
      %and3A_762 = arith.andi %and3A_757, %and3A_761 : vector<128x50xi1>
      %jit3A_763 = arith.constant 39 : i32
      %broadcast_in_dim3A_764 = vector.broadcast %jit3A_763 : i32 to vector<128x50xi32>
      %select_n3A_765 = arith.select %and3A_762, %broadcast_in_dim3A_764, %select_n3A_750 : vector<128x50xi1>, vector<128x50xi32>
      %slice3A_766 = vector.extract_strided_slice %select_n3A_164 {offsets = [0, 40], sizes = [128, 1], strides = [1, 1]} : vector<128x50xi32> to vector<128x1xi32>
      %eq3A_767 = vector.broadcast %slice3A_766 : vector<128x1xi32> to vector<128x50xi32>
      %eq3A_768 = arith.cmpi eq, %select_n3A_164, %eq3A_767 : vector<128x50xi32>
      %gt3A_769 = arith.constant 40 : i32
      %gt3A_770 = vector.broadcast %gt3A_769 : i32 to vector<128x50xi32>
      %gt3A_771 = arith.cmpi sgt, %iota3A, %gt3A_770 : vector<128x50xi32>
      %and3A_772 = arith.andi %eq3A_768, %gt3A_771 : vector<128x50xi1>
      %ge3A_773 = arith.constant 0 : i32
      %ge3A_774 = vector.broadcast %ge3A_773 : i32 to vector<128x1xi32>
      %ge3A_775 = arith.cmpi sge, %slice3A_766, %ge3A_774 : vector<128x1xi32>
      %and3A_776 = vector.broadcast %ge3A_775 : vector<128x1xi1> to vector<128x50xi1>
      %and3A_777 = arith.andi %and3A_772, %and3A_776 : vector<128x50xi1>
      %jit3A_778 = arith.constant 40 : i32
      %broadcast_in_dim3A_779 = vector.broadcast %jit3A_778 : i32 to vector<128x50xi32>
      %select_n3A_780 = arith.select %and3A_777, %broadcast_in_dim3A_779, %select_n3A_765 : vector<128x50xi1>, vector<128x50xi32>
      %slice3A_781 = vector.extract_strided_slice %select_n3A_164 {offsets = [0, 41], sizes = [128, 1], strides = [1, 1]} : vector<128x50xi32> to vector<128x1xi32>
      %eq3A_782 = vector.broadcast %slice3A_781 : vector<128x1xi32> to vector<128x50xi32>
      %eq3A_783 = arith.cmpi eq, %select_n3A_164, %eq3A_782 : vector<128x50xi32>
      %gt3A_784 = arith.constant 41 : i32
      %gt3A_785 = vector.broadcast %gt3A_784 : i32 to vector<128x50xi32>
      %gt3A_786 = arith.cmpi sgt, %iota3A, %gt3A_785 : vector<128x50xi32>
      %and3A_787 = arith.andi %eq3A_783, %gt3A_786 : vector<128x50xi1>
      %ge3A_788 = arith.constant 0 : i32
      %ge3A_789 = vector.broadcast %ge3A_788 : i32 to vector<128x1xi32>
      %ge3A_790 = arith.cmpi sge, %slice3A_781, %ge3A_789 : vector<128x1xi32>
      %and3A_791 = vector.broadcast %ge3A_790 : vector<128x1xi1> to vector<128x50xi1>
      %and3A_792 = arith.andi %and3A_787, %and3A_791 : vector<128x50xi1>
      %jit3A_793 = arith.constant 41 : i32
      %broadcast_in_dim3A_794 = vector.broadcast %jit3A_793 : i32 to vector<128x50xi32>
      %select_n3A_795 = arith.select %and3A_792, %broadcast_in_dim3A_794, %select_n3A_780 : vector<128x50xi1>, vector<128x50xi32>
      %slice3A_796 = vector.extract_strided_slice %select_n3A_164 {offsets = [0, 42], sizes = [128, 1], strides = [1, 1]} : vector<128x50xi32> to vector<128x1xi32>
      %eq3A_797 = vector.broadcast %slice3A_796 : vector<128x1xi32> to vector<128x50xi32>
      %eq3A_798 = arith.cmpi eq, %select_n3A_164, %eq3A_797 : vector<128x50xi32>
      %gt3A_799 = arith.constant 42 : i32
      %gt3A_800 = vector.broadcast %gt3A_799 : i32 to vector<128x50xi32>
      %gt3A_801 = arith.cmpi sgt, %iota3A, %gt3A_800 : vector<128x50xi32>
      %and3A_802 = arith.andi %eq3A_798, %gt3A_801 : vector<128x50xi1>
      %ge3A_803 = arith.constant 0 : i32
      %ge3A_804 = vector.broadcast %ge3A_803 : i32 to vector<128x1xi32>
      %ge3A_805 = arith.cmpi sge, %slice3A_796, %ge3A_804 : vector<128x1xi32>
      %and3A_806 = vector.broadcast %ge3A_805 : vector<128x1xi1> to vector<128x50xi1>
      %and3A_807 = arith.andi %and3A_802, %and3A_806 : vector<128x50xi1>
      %jit3A_808 = arith.constant 42 : i32
      %broadcast_in_dim3A_809 = vector.broadcast %jit3A_808 : i32 to vector<128x50xi32>
      %select_n3A_810 = arith.select %and3A_807, %broadcast_in_dim3A_809, %select_n3A_795 : vector<128x50xi1>, vector<128x50xi32>
      %slice3A_811 = vector.extract_strided_slice %select_n3A_164 {offsets = [0, 43], sizes = [128, 1], strides = [1, 1]} : vector<128x50xi32> to vector<128x1xi32>
      %eq3A_812 = vector.broadcast %slice3A_811 : vector<128x1xi32> to vector<128x50xi32>
      %eq3A_813 = arith.cmpi eq, %select_n3A_164, %eq3A_812 : vector<128x50xi32>
      %gt3A_814 = arith.constant 43 : i32
      %gt3A_815 = vector.broadcast %gt3A_814 : i32 to vector<128x50xi32>
      %gt3A_816 = arith.cmpi sgt, %iota3A, %gt3A_815 : vector<128x50xi32>
      %and3A_817 = arith.andi %eq3A_813, %gt3A_816 : vector<128x50xi1>
      %ge3A_818 = arith.constant 0 : i32
      %ge3A_819 = vector.broadcast %ge3A_818 : i32 to vector<128x1xi32>
      %ge3A_820 = arith.cmpi sge, %slice3A_811, %ge3A_819 : vector<128x1xi32>
      %and3A_821 = vector.broadcast %ge3A_820 : vector<128x1xi1> to vector<128x50xi1>
      %and3A_822 = arith.andi %and3A_817, %and3A_821 : vector<128x50xi1>
      %jit3A_823 = arith.constant 43 : i32
      %broadcast_in_dim3A_824 = vector.broadcast %jit3A_823 : i32 to vector<128x50xi32>
      %select_n3A_825 = arith.select %and3A_822, %broadcast_in_dim3A_824, %select_n3A_810 : vector<128x50xi1>, vector<128x50xi32>
      %slice3A_826 = vector.extract_strided_slice %select_n3A_164 {offsets = [0, 44], sizes = [128, 1], strides = [1, 1]} : vector<128x50xi32> to vector<128x1xi32>
      %eq3A_827 = vector.broadcast %slice3A_826 : vector<128x1xi32> to vector<128x50xi32>
      %eq3A_828 = arith.cmpi eq, %select_n3A_164, %eq3A_827 : vector<128x50xi32>
      %gt3A_829 = arith.constant 44 : i32
      %gt3A_830 = vector.broadcast %gt3A_829 : i32 to vector<128x50xi32>
      %gt3A_831 = arith.cmpi sgt, %iota3A, %gt3A_830 : vector<128x50xi32>
      %and3A_832 = arith.andi %eq3A_828, %gt3A_831 : vector<128x50xi1>
      %ge3A_833 = arith.constant 0 : i32
      %ge3A_834 = vector.broadcast %ge3A_833 : i32 to vector<128x1xi32>
      %ge3A_835 = arith.cmpi sge, %slice3A_826, %ge3A_834 : vector<128x1xi32>
      %and3A_836 = vector.broadcast %ge3A_835 : vector<128x1xi1> to vector<128x50xi1>
      %and3A_837 = arith.andi %and3A_832, %and3A_836 : vector<128x50xi1>
      %jit3A_838 = arith.constant 44 : i32
      %broadcast_in_dim3A_839 = vector.broadcast %jit3A_838 : i32 to vector<128x50xi32>
      %select_n3A_840 = arith.select %and3A_837, %broadcast_in_dim3A_839, %select_n3A_825 : vector<128x50xi1>, vector<128x50xi32>
      %slice3A_841 = vector.extract_strided_slice %select_n3A_164 {offsets = [0, 45], sizes = [128, 1], strides = [1, 1]} : vector<128x50xi32> to vector<128x1xi32>
      %eq3A_842 = vector.broadcast %slice3A_841 : vector<128x1xi32> to vector<128x50xi32>
      %eq3A_843 = arith.cmpi eq, %select_n3A_164, %eq3A_842 : vector<128x50xi32>
      %gt3A_844 = arith.constant 45 : i32
      %gt3A_845 = vector.broadcast %gt3A_844 : i32 to vector<128x50xi32>
      %gt3A_846 = arith.cmpi sgt, %iota3A, %gt3A_845 : vector<128x50xi32>
      %and3A_847 = arith.andi %eq3A_843, %gt3A_846 : vector<128x50xi1>
      %ge3A_848 = arith.constant 0 : i32
      %ge3A_849 = vector.broadcast %ge3A_848 : i32 to vector<128x1xi32>
      %ge3A_850 = arith.cmpi sge, %slice3A_841, %ge3A_849 : vector<128x1xi32>
      %and3A_851 = vector.broadcast %ge3A_850 : vector<128x1xi1> to vector<128x50xi1>
      %and3A_852 = arith.andi %and3A_847, %and3A_851 : vector<128x50xi1>
      %jit3A_853 = arith.constant 45 : i32
      %broadcast_in_dim3A_854 = vector.broadcast %jit3A_853 : i32 to vector<128x50xi32>
      %select_n3A_855 = arith.select %and3A_852, %broadcast_in_dim3A_854, %select_n3A_840 : vector<128x50xi1>, vector<128x50xi32>
      %slice3A_856 = vector.extract_strided_slice %select_n3A_164 {offsets = [0, 46], sizes = [128, 1], strides = [1, 1]} : vector<128x50xi32> to vector<128x1xi32>
      %eq3A_857 = vector.broadcast %slice3A_856 : vector<128x1xi32> to vector<128x50xi32>
      %eq3A_858 = arith.cmpi eq, %select_n3A_164, %eq3A_857 : vector<128x50xi32>
      %gt3A_859 = arith.constant 46 : i32
      %gt3A_860 = vector.broadcast %gt3A_859 : i32 to vector<128x50xi32>
      %gt3A_861 = arith.cmpi sgt, %iota3A, %gt3A_860 : vector<128x50xi32>
      %and3A_862 = arith.andi %eq3A_858, %gt3A_861 : vector<128x50xi1>
      %ge3A_863 = arith.constant 0 : i32
      %ge3A_864 = vector.broadcast %ge3A_863 : i32 to vector<128x1xi32>
      %ge3A_865 = arith.cmpi sge, %slice3A_856, %ge3A_864 : vector<128x1xi32>
      %and3A_866 = vector.broadcast %ge3A_865 : vector<128x1xi1> to vector<128x50xi1>
      %and3A_867 = arith.andi %and3A_862, %and3A_866 : vector<128x50xi1>
      %jit3A_868 = arith.constant 46 : i32
      %broadcast_in_dim3A_869 = vector.broadcast %jit3A_868 : i32 to vector<128x50xi32>
      %select_n3A_870 = arith.select %and3A_867, %broadcast_in_dim3A_869, %select_n3A_855 : vector<128x50xi1>, vector<128x50xi32>
      %slice3A_871 = vector.extract_strided_slice %select_n3A_164 {offsets = [0, 47], sizes = [128, 1], strides = [1, 1]} : vector<128x50xi32> to vector<128x1xi32>
      %eq3A_872 = vector.broadcast %slice3A_871 : vector<128x1xi32> to vector<128x50xi32>
      %eq3A_873 = arith.cmpi eq, %select_n3A_164, %eq3A_872 : vector<128x50xi32>
      %gt3A_874 = arith.constant 47 : i32
      %gt3A_875 = vector.broadcast %gt3A_874 : i32 to vector<128x50xi32>
      %gt3A_876 = arith.cmpi sgt, %iota3A, %gt3A_875 : vector<128x50xi32>
      %and3A_877 = arith.andi %eq3A_873, %gt3A_876 : vector<128x50xi1>
      %ge3A_878 = arith.constant 0 : i32
      %ge3A_879 = vector.broadcast %ge3A_878 : i32 to vector<128x1xi32>
      %ge3A_880 = arith.cmpi sge, %slice3A_871, %ge3A_879 : vector<128x1xi32>
      %and3A_881 = vector.broadcast %ge3A_880 : vector<128x1xi1> to vector<128x50xi1>
      %and3A_882 = arith.andi %and3A_877, %and3A_881 : vector<128x50xi1>
      %jit3A_883 = arith.constant 47 : i32
      %broadcast_in_dim3A_884 = vector.broadcast %jit3A_883 : i32 to vector<128x50xi32>
      %select_n3A_885 = arith.select %and3A_882, %broadcast_in_dim3A_884, %select_n3A_870 : vector<128x50xi1>, vector<128x50xi32>
      %slice3A_886 = vector.extract_strided_slice %select_n3A_164 {offsets = [0, 48], sizes = [128, 1], strides = [1, 1]} : vector<128x50xi32> to vector<128x1xi32>
      %eq3A_887 = vector.broadcast %slice3A_886 : vector<128x1xi32> to vector<128x50xi32>
      %eq3A_888 = arith.cmpi eq, %select_n3A_164, %eq3A_887 : vector<128x50xi32>
      %gt3A_889 = arith.constant 48 : i32
      %gt3A_890 = vector.broadcast %gt3A_889 : i32 to vector<128x50xi32>
      %gt3A_891 = arith.cmpi sgt, %iota3A, %gt3A_890 : vector<128x50xi32>
      %and3A_892 = arith.andi %eq3A_888, %gt3A_891 : vector<128x50xi1>
      %ge3A_893 = arith.constant 0 : i32
      %ge3A_894 = vector.broadcast %ge3A_893 : i32 to vector<128x1xi32>
      %ge3A_895 = arith.cmpi sge, %slice3A_886, %ge3A_894 : vector<128x1xi32>
      %and3A_896 = vector.broadcast %ge3A_895 : vector<128x1xi1> to vector<128x50xi1>
      %and3A_897 = arith.andi %and3A_892, %and3A_896 : vector<128x50xi1>
      %jit3A_898 = arith.constant 48 : i32
      %broadcast_in_dim3A_899 = vector.broadcast %jit3A_898 : i32 to vector<128x50xi32>
      %select_n3A_900 = arith.select %and3A_897, %broadcast_in_dim3A_899, %select_n3A_885 : vector<128x50xi1>, vector<128x50xi32>
      %swap3A_901 = arith.constant 0 : index
      %swap3A_902 = arith.constant 0 : index
      %swap3A_903 = vector.load %arg20[%swap3A_901, %swap3A_902] : memref<128x50xi32, #tpu.memory_space<vmem>>, vector<128x50xi32>
      tpu.vector_store %arg20[%swap3A_901, %swap3A_902], %select_n3A_900 {strides = array<i32>} : memref<128x50xi32, #tpu.memory_space<vmem>>, vector<128x50xi32>,
      %broadcast_in_dim3A_904 = arith.constant 0 : i32
      %broadcast_in_dim3A_905 = vector.broadcast %broadcast_in_dim3A_904 : i32 to vector<128x50xi32>
      %slice3A_906 = vector.extract_strided_slice %select_n3A_900 {offsets = [0, 1], sizes = [128, 1], strides = [1, 1]} : vector<128x50xi32> to vector<128x1xi32>
      %eq3A_907 = vector.broadcast %slice3A_906 : vector<128x1xi32> to vector<128x50xi32>
      %eq3A_908 = arith.cmpi eq, %iota3A, %eq3A_907 : vector<128x50xi32>
      %jit3A_909 = arith.constant 1 : i32
      %broadcast_in_dim3A_910 = vector.broadcast %jit3A_909 : i32 to vector<128x50xi32>
      %select_n3A_911 = arith.select %eq3A_908, %broadcast_in_dim3A_910, %broadcast_in_dim3A_905 : vector<128x50xi1>, vector<128x50xi32>
      %slice3A_912 = vector.extract_strided_slice %select_n3A_900 {offsets = [0, 2], sizes = [128, 1], strides = [1, 1]} : vector<128x50xi32> to vector<128x1xi32>
      %eq3A_913 = vector.broadcast %slice3A_912 : vector<128x1xi32> to vector<128x50xi32>
      %eq3A_914 = arith.cmpi eq, %iota3A, %eq3A_913 : vector<128x50xi32>
      %jit3A_915 = arith.constant 1 : i32
      %broadcast_in_dim3A_916 = vector.broadcast %jit3A_915 : i32 to vector<128x50xi32>
      %select_n3A_917 = arith.select %eq3A_914, %broadcast_in_dim3A_916, %select_n3A_911 : vector<128x50xi1>, vector<128x50xi32>
      %slice3A_918 = vector.extract_strided_slice %select_n3A_900 {offsets = [0, 3], sizes = [128, 1], strides = [1, 1]} : vector<128x50xi32> to vector<128x1xi32>
      %eq3A_919 = vector.broadcast %slice3A_918 : vector<128x1xi32> to vector<128x50xi32>
      %eq3A_920 = arith.cmpi eq, %iota3A, %eq3A_919 : vector<128x50xi32>
      %jit3A_921 = arith.constant 1 : i32
      %broadcast_in_dim3A_922 = vector.broadcast %jit3A_921 : i32 to vector<128x50xi32>
      %select_n3A_923 = arith.select %eq3A_920, %broadcast_in_dim3A_922, %select_n3A_917 : vector<128x50xi1>, vector<128x50xi32>
      %slice3A_924 = vector.extract_strided_slice %select_n3A_900 {offsets = [0, 4], sizes = [128, 1], strides = [1, 1]} : vector<128x50xi32> to vector<128x1xi32>
      %eq3A_925 = vector.broadcast %slice3A_924 : vector<128x1xi32> to vector<128x50xi32>
      %eq3A_926 = arith.cmpi eq, %iota3A, %eq3A_925 : vector<128x50xi32>
      %jit3A_927 = arith.constant 1 : i32
      %broadcast_in_dim3A_928 = vector.broadcast %jit3A_927 : i32 to vector<128x50xi32>
      %select_n3A_929 = arith.select %eq3A_926, %broadcast_in_dim3A_928, %select_n3A_923 : vector<128x50xi1>, vector<128x50xi32>
      %slice3A_930 = vector.extract_strided_slice %select_n3A_900 {offsets = [0, 5], sizes = [128, 1], strides = [1, 1]} : vector<128x50xi32> to vector<128x1xi32>
      %eq3A_931 = vector.broadcast %slice3A_930 : vector<128x1xi32> to vector<128x50xi32>
      %eq3A_932 = arith.cmpi eq, %iota3A, %eq3A_931 : vector<128x50xi32>
      %jit3A_933 = arith.constant 1 : i32
      %broadcast_in_dim3A_934 = vector.broadcast %jit3A_933 : i32 to vector<128x50xi32>
      %select_n3A_935 = arith.select %eq3A_932, %broadcast_in_dim3A_934, %select_n3A_929 : vector<128x50xi1>, vector<128x50xi32>
      %slice3A_936 = vector.extract_strided_slice %select_n3A_900 {offsets = [0, 6], sizes = [128, 1], strides = [1, 1]} : vector<128x50xi32> to vector<128x1xi32>
      %eq3A_937 = vector.broadcast %slice3A_936 : vector<128x1xi32> to vector<128x50xi32>
      %eq3A_938 = arith.cmpi eq, %iota3A, %eq3A_937 : vector<128x50xi32>
      %jit3A_939 = arith.constant 1 : i32
      %broadcast_in_dim3A_940 = vector.broadcast %jit3A_939 : i32 to vector<128x50xi32>
      %select_n3A_941 = arith.select %eq3A_938, %broadcast_in_dim3A_940, %select_n3A_935 : vector<128x50xi1>, vector<128x50xi32>
      %slice3A_942 = vector.extract_strided_slice %select_n3A_900 {offsets = [0, 7], sizes = [128, 1], strides = [1, 1]} : vector<128x50xi32> to vector<128x1xi32>
      %eq3A_943 = vector.broadcast %slice3A_942 : vector<128x1xi32> to vector<128x50xi32>
      %eq3A_944 = arith.cmpi eq, %iota3A, %eq3A_943 : vector<128x50xi32>
      %jit3A_945 = arith.constant 1 : i32
      %broadcast_in_dim3A_946 = vector.broadcast %jit3A_945 : i32 to vector<128x50xi32>
      %select_n3A_947 = arith.select %eq3A_944, %broadcast_in_dim3A_946, %select_n3A_941 : vector<128x50xi1>, vector<128x50xi32>
      %slice3A_948 = vector.extract_strided_slice %select_n3A_900 {offsets = [0, 8], sizes = [128, 1], strides = [1, 1]} : vector<128x50xi32> to vector<128x1xi32>
      %eq3A_949 = vector.broadcast %slice3A_948 : vector<128x1xi32> to vector<128x50xi32>
      %eq3A_950 = arith.cmpi eq, %iota3A, %eq3A_949 : vector<128x50xi32>
      %jit3A_951 = arith.constant 1 : i32
      %broadcast_in_dim3A_952 = vector.broadcast %jit3A_951 : i32 to vector<128x50xi32>
      %select_n3A_953 = arith.select %eq3A_950, %broadcast_in_dim3A_952, %select_n3A_947 : vector<128x50xi1>, vector<128x50xi32>
      %slice3A_954 = vector.extract_strided_slice %select_n3A_900 {offsets = [0, 9], sizes = [128, 1], strides = [1, 1]} : vector<128x50xi32> to vector<128x1xi32>
      %eq3A_955 = vector.broadcast %slice3A_954 : vector<128x1xi32> to vector<128x50xi32>
      %eq3A_956 = arith.cmpi eq, %iota3A, %eq3A_955 : vector<128x50xi32>
      %jit3A_957 = arith.constant 1 : i32
      %broadcast_in_dim3A_958 = vector.broadcast %jit3A_957 : i32 to vector<128x50xi32>
      %select_n3A_959 = arith.select %eq3A_956, %broadcast_in_dim3A_958, %select_n3A_953 : vector<128x50xi1>, vector<128x50xi32>
      %slice3A_960 = vector.extract_strided_slice %select_n3A_900 {offsets = [0, 10], sizes = [128, 1], strides = [1, 1]} : vector<128x50xi32> to vector<128x1xi32>
      %eq3A_961 = vector.broadcast %slice3A_960 : vector<128x1xi32> to vector<128x50xi32>
      %eq3A_962 = arith.cmpi eq, %iota3A, %eq3A_961 : vector<128x50xi32>
      %jit3A_963 = arith.constant 1 : i32
      %broadcast_in_dim3A_964 = vector.broadcast %jit3A_963 : i32 to vector<128x50xi32>
      %select_n3A_965 = arith.select %eq3A_962, %broadcast_in_dim3A_964, %select_n3A_959 : vector<128x50xi1>, vector<128x50xi32>
      %slice3A_966 = vector.extract_strided_slice %select_n3A_900 {offsets = [0, 11], sizes = [128, 1], strides = [1, 1]} : vector<128x50xi32> to vector<128x1xi32>
      %eq3A_967 = vector.broadcast %slice3A_966 : vector<128x1xi32> to vector<128x50xi32>
      %eq3A_968 = arith.cmpi eq, %iota3A, %eq3A_967 : vector<128x50xi32>
      %jit3A_969 = arith.constant 1 : i32
      %broadcast_in_dim3A_970 = vector.broadcast %jit3A_969 : i32 to vector<128x50xi32>
      %select_n3A_971 = arith.select %eq3A_968, %broadcast_in_dim3A_970, %select_n3A_965 : vector<128x50xi1>, vector<128x50xi32>
      %slice3A_972 = vector.extract_strided_slice %select_n3A_900 {offsets = [0, 12], sizes = [128, 1], strides = [1, 1]} : vector<128x50xi32> to vector<128x1xi32>
      %eq3A_973 = vector.broadcast %slice3A_972 : vector<128x1xi32> to vector<128x50xi32>
      %eq3A_974 = arith.cmpi eq, %iota3A, %eq3A_973 : vector<128x50xi32>
      %jit3A_975 = arith.constant 1 : i32
      %broadcast_in_dim3A_976 = vector.broadcast %jit3A_975 : i32 to vector<128x50xi32>
      %select_n3A_977 = arith.select %eq3A_974, %broadcast_in_dim3A_976, %select_n3A_971 : vector<128x50xi1>, vector<128x50xi32>
      %slice3A_978 = vector.extract_strided_slice %select_n3A_900 {offsets = [0, 13], sizes = [128, 1], strides = [1, 1]} : vector<128x50xi32> to vector<128x1xi32>
      %eq3A_979 = vector.broadcast %slice3A_978 : vector<128x1xi32> to vector<128x50xi32>
      %eq3A_980 = arith.cmpi eq, %iota3A, %eq3A_979 : vector<128x50xi32>
      %jit3A_981 = arith.constant 1 : i32
      %broadcast_in_dim3A_982 = vector.broadcast %jit3A_981 : i32 to vector<128x50xi32>
      %select_n3A_983 = arith.select %eq3A_980, %broadcast_in_dim3A_982, %select_n3A_977 : vector<128x50xi1>, vector<128x50xi32>
      %slice3A_984 = vector.extract_strided_slice %select_n3A_900 {offsets = [0, 14], sizes = [128, 1], strides = [1, 1]} : vector<128x50xi32> to vector<128x1xi32>
      %eq3A_985 = vector.broadcast %slice3A_984 : vector<128x1xi32> to vector<128x50xi32>
      %eq3A_986 = arith.cmpi eq, %iota3A, %eq3A_985 : vector<128x50xi32>
      %jit3A_987 = arith.constant 1 : i32
      %broadcast_in_dim3A_988 = vector.broadcast %jit3A_987 : i32 to vector<128x50xi32>
      %select_n3A_989 = arith.select %eq3A_986, %broadcast_in_dim3A_988, %select_n3A_983 : vector<128x50xi1>, vector<128x50xi32>
      %slice3A_990 = vector.extract_strided_slice %select_n3A_900 {offsets = [0, 15], sizes = [128, 1], strides = [1, 1]} : vector<128x50xi32> to vector<128x1xi32>
      %eq3A_991 = vector.broadcast %slice3A_990 : vector<128x1xi32> to vector<128x50xi32>
      %eq3A_992 = arith.cmpi eq, %iota3A, %eq3A_991 : vector<128x50xi32>
      %jit3A_993 = arith.constant 1 : i32
      %broadcast_in_dim3A_994 = vector.broadcast %jit3A_993 : i32 to vector<128x50xi32>
      %select_n3A_995 = arith.select %eq3A_992, %broadcast_in_dim3A_994, %select_n3A_989 : vector<128x50xi1>, vector<128x50xi32>
      %slice3A_996 = vector.extract_strided_slice %select_n3A_900 {offsets = [0, 16], sizes = [128, 1], strides = [1, 1]} : vector<128x50xi32> to vector<128x1xi32>
      %eq3A_997 = vector.broadcast %slice3A_996 : vector<128x1xi32> to vector<128x50xi32>
      %eq3A_998 = arith.cmpi eq, %iota3A, %eq3A_997 : vector<128x50xi32>
      %jit3A_999 = arith.constant 1 : i32
      %broadcast_in_dim3A_1000 = vector.broadcast %jit3A_999 : i32 to vector<128x50xi32>
      %select_n3A_1001 = arith.select %eq3A_998, %broadcast_in_dim3A_1000, %select_n3A_995 : vector<128x50xi1>, vector<128x50xi32>
      %slice3A_1002 = vector.extract_strided_slice %select_n3A_900 {offsets = [0, 17], sizes = [128, 1], strides = [1, 1]} : vector<128x50xi32> to vector<128x1xi32>
      %eq3A_1003 = vector.broadcast %slice3A_1002 : vector<128x1xi32> to vector<128x50xi32>
      %eq3A_1004 = arith.cmpi eq, %iota3A, %eq3A_1003 : vector<128x50xi32>
      %jit3A_1005 = arith.constant 1 : i32
      %broadcast_in_dim3A_1006 = vector.broadcast %jit3A_1005 : i32 to vector<128x50xi32>
      %select_n3A_1007 = arith.select %eq3A_1004, %broadcast_in_dim3A_1006, %select_n3A_1001 : vector<128x50xi1>, vector<128x50xi32>
      %slice3A_1008 = vector.extract_strided_slice %select_n3A_900 {offsets = [0, 18], sizes = [128, 1], strides = [1, 1]} : vector<128x50xi32> to vector<128x1xi32>
      %eq3A_1009 = vector.broadcast %slice3A_1008 : vector<128x1xi32> to vector<128x50xi32>
      %eq3A_1010 = arith.cmpi eq, %iota3A, %eq3A_1009 : vector<128x50xi32>
      %jit3A_1011 = arith.constant 1 : i32
      %broadcast_in_dim3A_1012 = vector.broadcast %jit3A_1011 : i32 to vector<128x50xi32>
      %select_n3A_1013 = arith.select %eq3A_1010, %broadcast_in_dim3A_1012, %select_n3A_1007 : vector<128x50xi1>, vector<128x50xi32>
      %slice3A_1014 = vector.extract_strided_slice %select_n3A_900 {offsets = [0, 19], sizes = [128, 1], strides = [1, 1]} : vector<128x50xi32> to vector<128x1xi32>
      %eq3A_1015 = vector.broadcast %slice3A_1014 : vector<128x1xi32> to vector<128x50xi32>
      %eq3A_1016 = arith.cmpi eq, %iota3A, %eq3A_1015 : vector<128x50xi32>
      %jit3A_1017 = arith.constant 1 : i32
      %broadcast_in_dim3A_1018 = vector.broadcast %jit3A_1017 : i32 to vector<128x50xi32>
      %select_n3A_1019 = arith.select %eq3A_1016, %broadcast_in_dim3A_1018, %select_n3A_1013 : vector<128x50xi1>, vector<128x50xi32>
      %slice3A_1020 = vector.extract_strided_slice %select_n3A_900 {offsets = [0, 20], sizes = [128, 1], strides = [1, 1]} : vector<128x50xi32> to vector<128x1xi32>
      %eq3A_1021 = vector.broadcast %slice3A_1020 : vector<128x1xi32> to vector<128x50xi32>
      %eq3A_1022 = arith.cmpi eq, %iota3A, %eq3A_1021 : vector<128x50xi32>
      %jit3A_1023 = arith.constant 1 : i32
      %broadcast_in_dim3A_1024 = vector.broadcast %jit3A_1023 : i32 to vector<128x50xi32>
      %select_n3A_1025 = arith.select %eq3A_1022, %broadcast_in_dim3A_1024, %select_n3A_1019 : vector<128x50xi1>, vector<128x50xi32>
      %slice3A_1026 = vector.extract_strided_slice %select_n3A_900 {offsets = [0, 21], sizes = [128, 1], strides = [1, 1]} : vector<128x50xi32> to vector<128x1xi32>
      %eq3A_1027 = vector.broadcast %slice3A_1026 : vector<128x1xi32> to vector<128x50xi32>
      %eq3A_1028 = arith.cmpi eq, %iota3A, %eq3A_1027 : vector<128x50xi32>
      %jit3A_1029 = arith.constant 1 : i32
      %broadcast_in_dim3A_1030 = vector.broadcast %jit3A_1029 : i32 to vector<128x50xi32>
      %select_n3A_1031 = arith.select %eq3A_1028, %broadcast_in_dim3A_1030, %select_n3A_1025 : vector<128x50xi1>, vector<128x50xi32>
      %slice3A_1032 = vector.extract_strided_slice %select_n3A_900 {offsets = [0, 22], sizes = [128, 1], strides = [1, 1]} : vector<128x50xi32> to vector<128x1xi32>
      %eq3A_1033 = vector.broadcast %slice3A_1032 : vector<128x1xi32> to vector<128x50xi32>
      %eq3A_1034 = arith.cmpi eq, %iota3A, %eq3A_1033 : vector<128x50xi32>
      %jit3A_1035 = arith.constant 1 : i32
      %broadcast_in_dim3A_1036 = vector.broadcast %jit3A_1035 : i32 to vector<128x50xi32>
      %select_n3A_1037 = arith.select %eq3A_1034, %broadcast_in_dim3A_1036, %select_n3A_1031 : vector<128x50xi1>, vector<128x50xi32>
      %slice3A_1038 = vector.extract_strided_slice %select_n3A_900 {offsets = [0, 23], sizes = [128, 1], strides = [1, 1]} : vector<128x50xi32> to vector<128x1xi32>
      %eq3A_1039 = vector.broadcast %slice3A_1038 : vector<128x1xi32> to vector<128x50xi32>
      %eq3A_1040 = arith.cmpi eq, %iota3A, %eq3A_1039 : vector<128x50xi32>
      %jit3A_1041 = arith.constant 1 : i32
      %broadcast_in_dim3A_1042 = vector.broadcast %jit3A_1041 : i32 to vector<128x50xi32>
      %select_n3A_1043 = arith.select %eq3A_1040, %broadcast_in_dim3A_1042, %select_n3A_1037 : vector<128x50xi1>, vector<128x50xi32>
      %slice3A_1044 = vector.extract_strided_slice %select_n3A_900 {offsets = [0, 24], sizes = [128, 1], strides = [1, 1]} : vector<128x50xi32> to vector<128x1xi32>
      %eq3A_1045 = vector.broadcast %slice3A_1044 : vector<128x1xi32> to vector<128x50xi32>
      %eq3A_1046 = arith.cmpi eq, %iota3A, %eq3A_1045 : vector<128x50xi32>
      %jit3A_1047 = arith.constant 1 : i32
      %broadcast_in_dim3A_1048 = vector.broadcast %jit3A_1047 : i32 to vector<128x50xi32>
      %select_n3A_1049 = arith.select %eq3A_1046, %broadcast_in_dim3A_1048, %select_n3A_1043 : vector<128x50xi1>, vector<128x50xi32>
      %slice3A_1050 = vector.extract_strided_slice %select_n3A_900 {offsets = [0, 25], sizes = [128, 1], strides = [1, 1]} : vector<128x50xi32> to vector<128x1xi32>
      %eq3A_1051 = vector.broadcast %slice3A_1050 : vector<128x1xi32> to vector<128x50xi32>
      %eq3A_1052 = arith.cmpi eq, %iota3A, %eq3A_1051 : vector<128x50xi32>
      %jit3A_1053 = arith.constant 1 : i32
      %broadcast_in_dim3A_1054 = vector.broadcast %jit3A_1053 : i32 to vector<128x50xi32>
      %select_n3A_1055 = arith.select %eq3A_1052, %broadcast_in_dim3A_1054, %select_n3A_1049 : vector<128x50xi1>, vector<128x50xi32>
      %slice3A_1056 = vector.extract_strided_slice %select_n3A_900 {offsets = [0, 26], sizes = [128, 1], strides = [1, 1]} : vector<128x50xi32> to vector<128x1xi32>
      %eq3A_1057 = vector.broadcast %slice3A_1056 : vector<128x1xi32> to vector<128x50xi32>
      %eq3A_1058 = arith.cmpi eq, %iota3A, %eq3A_1057 : vector<128x50xi32>
      %jit3A_1059 = arith.constant 1 : i32
      %broadcast_in_dim3A_1060 = vector.broadcast %jit3A_1059 : i32 to vector<128x50xi32>
      %select_n3A_1061 = arith.select %eq3A_1058, %broadcast_in_dim3A_1060, %select_n3A_1055 : vector<128x50xi1>, vector<128x50xi32>
      %slice3A_1062 = vector.extract_strided_slice %select_n3A_900 {offsets = [0, 27], sizes = [128, 1], strides = [1, 1]} : vector<128x50xi32> to vector<128x1xi32>
      %eq3A_1063 = vector.broadcast %slice3A_1062 : vector<128x1xi32> to vector<128x50xi32>
      %eq3A_1064 = arith.cmpi eq, %iota3A, %eq3A_1063 : vector<128x50xi32>
      %jit3A_1065 = arith.constant 1 : i32
      %broadcast_in_dim3A_1066 = vector.broadcast %jit3A_1065 : i32 to vector<128x50xi32>
      %select_n3A_1067 = arith.select %eq3A_1064, %broadcast_in_dim3A_1066, %select_n3A_1061 : vector<128x50xi1>, vector<128x50xi32>
      %slice3A_1068 = vector.extract_strided_slice %select_n3A_900 {offsets = [0, 28], sizes = [128, 1], strides = [1, 1]} : vector<128x50xi32> to vector<128x1xi32>
      %eq3A_1069 = vector.broadcast %slice3A_1068 : vector<128x1xi32> to vector<128x50xi32>
      %eq3A_1070 = arith.cmpi eq, %iota3A, %eq3A_1069 : vector<128x50xi32>
      %jit3A_1071 = arith.constant 1 : i32
      %broadcast_in_dim3A_1072 = vector.broadcast %jit3A_1071 : i32 to vector<128x50xi32>
      %select_n3A_1073 = arith.select %eq3A_1070, %broadcast_in_dim3A_1072, %select_n3A_1067 : vector<128x50xi1>, vector<128x50xi32>
      %slice3A_1074 = vector.extract_strided_slice %select_n3A_900 {offsets = [0, 29], sizes = [128, 1], strides = [1, 1]} : vector<128x50xi32> to vector<128x1xi32>
      %eq3A_1075 = vector.broadcast %slice3A_1074 : vector<128x1xi32> to vector<128x50xi32>
      %eq3A_1076 = arith.cmpi eq, %iota3A, %eq3A_1075 : vector<128x50xi32>
      %jit3A_1077 = arith.constant 1 : i32
      %broadcast_in_dim3A_1078 = vector.broadcast %jit3A_1077 : i32 to vector<128x50xi32>
      %select_n3A_1079 = arith.select %eq3A_1076, %broadcast_in_dim3A_1078, %select_n3A_1073 : vector<128x50xi1>, vector<128x50xi32>
      %slice3A_1080 = vector.extract_strided_slice %select_n3A_900 {offsets = [0, 30], sizes = [128, 1], strides = [1, 1]} : vector<128x50xi32> to vector<128x1xi32>
      %eq3A_1081 = vector.broadcast %slice3A_1080 : vector<128x1xi32> to vector<128x50xi32>
      %eq3A_1082 = arith.cmpi eq, %iota3A, %eq3A_1081 : vector<128x50xi32>
      %jit3A_1083 = arith.constant 1 : i32
      %broadcast_in_dim3A_1084 = vector.broadcast %jit3A_1083 : i32 to vector<128x50xi32>
      %select_n3A_1085 = arith.select %eq3A_1082, %broadcast_in_dim3A_1084, %select_n3A_1079 : vector<128x50xi1>, vector<128x50xi32>
      %slice3A_1086 = vector.extract_strided_slice %select_n3A_900 {offsets = [0, 31], sizes = [128, 1], strides = [1, 1]} : vector<128x50xi32> to vector<128x1xi32>
      %eq3A_1087 = vector.broadcast %slice3A_1086 : vector<128x1xi32> to vector<128x50xi32>
      %eq3A_1088 = arith.cmpi eq, %iota3A, %eq3A_1087 : vector<128x50xi32>
      %jit3A_1089 = arith.constant 1 : i32
      %broadcast_in_dim3A_1090 = vector.broadcast %jit3A_1089 : i32 to vector<128x50xi32>
      %select_n3A_1091 = arith.select %eq3A_1088, %broadcast_in_dim3A_1090, %select_n3A_1085 : vector<128x50xi1>, vector<128x50xi32>
      %slice3A_1092 = vector.extract_strided_slice %select_n3A_900 {offsets = [0, 32], sizes = [128, 1], strides = [1, 1]} : vector<128x50xi32> to vector<128x1xi32>
      %eq3A_1093 = vector.broadcast %slice3A_1092 : vector<128x1xi32> to vector<128x50xi32>
      %eq3A_1094 = arith.cmpi eq, %iota3A, %eq3A_1093 : vector<128x50xi32>
      %jit3A_1095 = arith.constant 1 : i32
      %broadcast_in_dim3A_1096 = vector.broadcast %jit3A_1095 : i32 to vector<128x50xi32>
      %select_n3A_1097 = arith.select %eq3A_1094, %broadcast_in_dim3A_1096, %select_n3A_1091 : vector<128x50xi1>, vector<128x50xi32>
      %slice3A_1098 = vector.extract_strided_slice %select_n3A_900 {offsets = [0, 33], sizes = [128, 1], strides = [1, 1]} : vector<128x50xi32> to vector<128x1xi32>
      %eq3A_1099 = vector.broadcast %slice3A_1098 : vector<128x1xi32> to vector<128x50xi32>
      %eq3A_1100 = arith.cmpi eq, %iota3A, %eq3A_1099 : vector<128x50xi32>
      %jit3A_1101 = arith.constant 1 : i32
      %broadcast_in_dim3A_1102 = vector.broadcast %jit3A_1101 : i32 to vector<128x50xi32>
      %select_n3A_1103 = arith.select %eq3A_1100, %broadcast_in_dim3A_1102, %select_n3A_1097 : vector<128x50xi1>, vector<128x50xi32>
      %slice3A_1104 = vector.extract_strided_slice %select_n3A_900 {offsets = [0, 34], sizes = [128, 1], strides = [1, 1]} : vector<128x50xi32> to vector<128x1xi32>
      %eq3A_1105 = vector.broadcast %slice3A_1104 : vector<128x1xi32> to vector<128x50xi32>
      %eq3A_1106 = arith.cmpi eq, %iota3A, %eq3A_1105 : vector<128x50xi32>
      %jit3A_1107 = arith.constant 1 : i32
      %broadcast_in_dim3A_1108 = vector.broadcast %jit3A_1107 : i32 to vector<128x50xi32>
      %select_n3A_1109 = arith.select %eq3A_1106, %broadcast_in_dim3A_1108, %select_n3A_1103 : vector<128x50xi1>, vector<128x50xi32>
      %slice3A_1110 = vector.extract_strided_slice %select_n3A_900 {offsets = [0, 35], sizes = [128, 1], strides = [1, 1]} : vector<128x50xi32> to vector<128x1xi32>
      %eq3A_1111 = vector.broadcast %slice3A_1110 : vector<128x1xi32> to vector<128x50xi32>
      %eq3A_1112 = arith.cmpi eq, %iota3A, %eq3A_1111 : vector<128x50xi32>
      %jit3A_1113 = arith.constant 1 : i32
      %broadcast_in_dim3A_1114 = vector.broadcast %jit3A_1113 : i32 to vector<128x50xi32>
      %select_n3A_1115 = arith.select %eq3A_1112, %broadcast_in_dim3A_1114, %select_n3A_1109 : vector<128x50xi1>, vector<128x50xi32>
      %slice3A_1116 = vector.extract_strided_slice %select_n3A_900 {offsets = [0, 36], sizes = [128, 1], strides = [1, 1]} : vector<128x50xi32> to vector<128x1xi32>
      %eq3A_1117 = vector.broadcast %slice3A_1116 : vector<128x1xi32> to vector<128x50xi32>
      %eq3A_1118 = arith.cmpi eq, %iota3A, %eq3A_1117 : vector<128x50xi32>
      %jit3A_1119 = arith.constant 1 : i32
      %broadcast_in_dim3A_1120 = vector.broadcast %jit3A_1119 : i32 to vector<128x50xi32>
      %select_n3A_1121 = arith.select %eq3A_1118, %broadcast_in_dim3A_1120, %select_n3A_1115 : vector<128x50xi1>, vector<128x50xi32>
      %slice3A_1122 = vector.extract_strided_slice %select_n3A_900 {offsets = [0, 37], sizes = [128, 1], strides = [1, 1]} : vector<128x50xi32> to vector<128x1xi32>
      %eq3A_1123 = vector.broadcast %slice3A_1122 : vector<128x1xi32> to vector<128x50xi32>
      %eq3A_1124 = arith.cmpi eq, %iota3A, %eq3A_1123 : vector<128x50xi32>
      %jit3A_1125 = arith.constant 1 : i32
      %broadcast_in_dim3A_1126 = vector.broadcast %jit3A_1125 : i32 to vector<128x50xi32>
      %select_n3A_1127 = arith.select %eq3A_1124, %broadcast_in_dim3A_1126, %select_n3A_1121 : vector<128x50xi1>, vector<128x50xi32>
      %slice3A_1128 = vector.extract_strided_slice %select_n3A_900 {offsets = [0, 38], sizes = [128, 1], strides = [1, 1]} : vector<128x50xi32> to vector<128x1xi32>
      %eq3A_1129 = vector.broadcast %slice3A_1128 : vector<128x1xi32> to vector<128x50xi32>
      %eq3A_1130 = arith.cmpi eq, %iota3A, %eq3A_1129 : vector<128x50xi32>
      %jit3A_1131 = arith.constant 1 : i32
      %broadcast_in_dim3A_1132 = vector.broadcast %jit3A_1131 : i32 to vector<128x50xi32>
      %select_n3A_1133 = arith.select %eq3A_1130, %broadcast_in_dim3A_1132, %select_n3A_1127 : vector<128x50xi1>, vector<128x50xi32>
      %slice3A_1134 = vector.extract_strided_slice %select_n3A_900 {offsets = [0, 39], sizes = [128, 1], strides = [1, 1]} : vector<128x50xi32> to vector<128x1xi32>
      %eq3A_1135 = vector.broadcast %slice3A_1134 : vector<128x1xi32> to vector<128x50xi32>
      %eq3A_1136 = arith.cmpi eq, %iota3A, %eq3A_1135 : vector<128x50xi32>
      %jit3A_1137 = arith.constant 1 : i32
      %broadcast_in_dim3A_1138 = vector.broadcast %jit3A_1137 : i32 to vector<128x50xi32>
      %select_n3A_1139 = arith.select %eq3A_1136, %broadcast_in_dim3A_1138, %select_n3A_1133 : vector<128x50xi1>, vector<128x50xi32>
      %slice3A_1140 = vector.extract_strided_slice %select_n3A_900 {offsets = [0, 40], sizes = [128, 1], strides = [1, 1]} : vector<128x50xi32> to vector<128x1xi32>
      %eq3A_1141 = vector.broadcast %slice3A_1140 : vector<128x1xi32> to vector<128x50xi32>
      %eq3A_1142 = arith.cmpi eq, %iota3A, %eq3A_1141 : vector<128x50xi32>
      %jit3A_1143 = arith.constant 1 : i32
      %broadcast_in_dim3A_1144 = vector.broadcast %jit3A_1143 : i32 to vector<128x50xi32>
      %select_n3A_1145 = arith.select %eq3A_1142, %broadcast_in_dim3A_1144, %select_n3A_1139 : vector<128x50xi1>, vector<128x50xi32>
      %slice3A_1146 = vector.extract_strided_slice %select_n3A_900 {offsets = [0, 41], sizes = [128, 1], strides = [1, 1]} : vector<128x50xi32> to vector<128x1xi32>
      %eq3A_1147 = vector.broadcast %slice3A_1146 : vector<128x1xi32> to vector<128x50xi32>
      %eq3A_1148 = arith.cmpi eq, %iota3A, %eq3A_1147 : vector<128x50xi32>
      %jit3A_1149 = arith.constant 1 : i32
      %broadcast_in_dim3A_1150 = vector.broadcast %jit3A_1149 : i32 to vector<128x50xi32>
      %select_n3A_1151 = arith.select %eq3A_1148, %broadcast_in_dim3A_1150, %select_n3A_1145 : vector<128x50xi1>, vector<128x50xi32>
      %slice3A_1152 = vector.extract_strided_slice %select_n3A_900 {offsets = [0, 42], sizes = [128, 1], strides = [1, 1]} : vector<128x50xi32> to vector<128x1xi32>
      %eq3A_1153 = vector.broadcast %slice3A_1152 : vector<128x1xi32> to vector<128x50xi32>
      %eq3A_1154 = arith.cmpi eq, %iota3A, %eq3A_1153 : vector<128x50xi32>
      %jit3A_1155 = arith.constant 1 : i32
      %broadcast_in_dim3A_1156 = vector.broadcast %jit3A_1155 : i32 to vector<128x50xi32>
      %select_n3A_1157 = arith.select %eq3A_1154, %broadcast_in_dim3A_1156, %select_n3A_1151 : vector<128x50xi1>, vector<128x50xi32>
      %slice3A_1158 = vector.extract_strided_slice %select_n3A_900 {offsets = [0, 43], sizes = [128, 1], strides = [1, 1]} : vector<128x50xi32> to vector<128x1xi32>
      %eq3A_1159 = vector.broadcast %slice3A_1158 : vector<128x1xi32> to vector<128x50xi32>
      %eq3A_1160 = arith.cmpi eq, %iota3A, %eq3A_1159 : vector<128x50xi32>
      %jit3A_1161 = arith.constant 1 : i32
      %broadcast_in_dim3A_1162 = vector.broadcast %jit3A_1161 : i32 to vector<128x50xi32>
      %select_n3A_1163 = arith.select %eq3A_1160, %broadcast_in_dim3A_1162, %select_n3A_1157 : vector<128x50xi1>, vector<128x50xi32>
      %slice3A_1164 = vector.extract_strided_slice %select_n3A_900 {offsets = [0, 44], sizes = [128, 1], strides = [1, 1]} : vector<128x50xi32> to vector<128x1xi32>
      %eq3A_1165 = vector.broadcast %slice3A_1164 : vector<128x1xi32> to vector<128x50xi32>
      %eq3A_1166 = arith.cmpi eq, %iota3A, %eq3A_1165 : vector<128x50xi32>
      %jit3A_1167 = arith.constant 1 : i32
      %broadcast_in_dim3A_1168 = vector.broadcast %jit3A_1167 : i32 to vector<128x50xi32>
      %select_n3A_1169 = arith.select %eq3A_1166, %broadcast_in_dim3A_1168, %select_n3A_1163 : vector<128x50xi1>, vector<128x50xi32>
      %slice3A_1170 = vector.extract_strided_slice %select_n3A_900 {offsets = [0, 45], sizes = [128, 1], strides = [1, 1]} : vector<128x50xi32> to vector<128x1xi32>
      %eq3A_1171 = vector.broadcast %slice3A_1170 : vector<128x1xi32> to vector<128x50xi32>
      %eq3A_1172 = arith.cmpi eq, %iota3A, %eq3A_1171 : vector<128x50xi32>
      %jit3A_1173 = arith.constant 1 : i32
      %broadcast_in_dim3A_1174 = vector.broadcast %jit3A_1173 : i32 to vector<128x50xi32>
      %select_n3A_1175 = arith.select %eq3A_1172, %broadcast_in_dim3A_1174, %select_n3A_1169 : vector<128x50xi1>, vector<128x50xi32>
      %slice3A_1176 = vector.extract_strided_slice %select_n3A_900 {offsets = [0, 46], sizes = [128, 1], strides = [1, 1]} : vector<128x50xi32> to vector<128x1xi32>
      %eq3A_1177 = vector.broadcast %slice3A_1176 : vector<128x1xi32> to vector<128x50xi32>
      %eq3A_1178 = arith.cmpi eq, %iota3A, %eq3A_1177 : vector<128x50xi32>
      %jit3A_1179 = arith.constant 1 : i32
      %broadcast_in_dim3A_1180 = vector.broadcast %jit3A_1179 : i32 to vector<128x50xi32>
      %select_n3A_1181 = arith.select %eq3A_1178, %broadcast_in_dim3A_1180, %select_n3A_1175 : vector<128x50xi1>, vector<128x50xi32>
      %slice3A_1182 = vector.extract_strided_slice %select_n3A_900 {offsets = [0, 47], sizes = [128, 1], strides = [1, 1]} : vector<128x50xi32> to vector<128x1xi32>
      %eq3A_1183 = vector.broadcast %slice3A_1182 : vector<128x1xi32> to vector<128x50xi32>
      %eq3A_1184 = arith.cmpi eq, %iota3A, %eq3A_1183 : vector<128x50xi32>
      %jit3A_1185 = arith.constant 1 : i32
      %broadcast_in_dim3A_1186 = vector.broadcast %jit3A_1185 : i32 to vector<128x50xi32>
      %select_n3A_1187 = arith.select %eq3A_1184, %broadcast_in_dim3A_1186, %select_n3A_1181 : vector<128x50xi1>, vector<128x50xi32>
      %slice3A_1188 = vector.extract_strided_slice %select_n3A_900 {offsets = [0, 48], sizes = [128, 1], strides = [1, 1]} : vector<128x50xi32> to vector<128x1xi32>
      %eq3A_1189 = vector.broadcast %slice3A_1188 : vector<128x1xi32> to vector<128x50xi32>
      %eq3A_1190 = arith.cmpi eq, %iota3A, %eq3A_1189 : vector<128x50xi32>
      %jit3A_1191 = arith.constant 1 : i32
      %broadcast_in_dim3A_1192 = vector.broadcast %jit3A_1191 : i32 to vector<128x50xi32>
      %select_n3A_1193 = arith.select %eq3A_1190, %broadcast_in_dim3A_1192, %select_n3A_1187 : vector<128x50xi1>, vector<128x50xi32>
      %slice3A_1194 = vector.extract_strided_slice %select_n3A_900 {offsets = [0, 49], sizes = [128, 1], strides = [1, 1]} : vector<128x50xi32> to vector<128x1xi32>
      %eq3A_1195 = vector.broadcast %slice3A_1194 : vector<128x1xi32> to vector<128x50xi32>
      %eq3A_1196 = arith.cmpi eq, %iota3A, %eq3A_1195 : vector<128x50xi32>
      %jit3A_1197 = arith.constant 1 : i32
      %broadcast_in_dim3A_1198 = vector.broadcast %jit3A_1197 : i32 to vector<128x50xi32>
      %select_n3A_1199 = arith.select %eq3A_1196, %broadcast_in_dim3A_1198, %select_n3A_1193 : vector<128x50xi1>, vector<128x50xi32>
      %swap3A_1200 = arith.constant 0 : index
      %swap3A_1201 = arith.constant 0 : index
      %swap3A_1202 = vector.load %arg21[%swap3A_1200, %swap3A_1201] : memref<128x50xi32, #tpu.memory_space<vmem>>, vector<128x50xi32>
      tpu.vector_store %arg21[%swap3A_1200, %swap3A_1201], %select_n3A_1199 {strides = array<i32>} : memref<128x50xi32, #tpu.memory_space<vmem>>, vector<128x50xi32>,
    } else {
    }
    %eq3A_2 = vector.broadcast %arg0 : i32 to vector<128x50xi32>
    %eq3A_3 = arith.cmpi eq, %iota3A, %eq3A_2 : vector<128x50xi32>
    %get3A = arith.constant 0 : index
    %get3A_4 = arith.constant 0 : index
    %get3A_5 = vector.load %arg20[%get3A, %get3A_4] : memref<128x50xi32, #tpu.memory_space<vmem>>, vector<128x50xi32>
    %jit3A = arith.constant 0 : i32
    %broadcast_in_dim3A = vector.broadcast %jit3A : i32 to vector<128x50xi32>
    %select_n3A = arith.select %eq3A_3, %get3A_5, %broadcast_in_dim3A : vector<128x50xi1>, vector<128x50xi32>
    %reduce_sum3A = arith.constant dense<0> : vector<128xi32>
    %reduce_sum3A_6 = vector.multi_reduction <add>, %select_n3A, %reduce_sum3A [1] : vector<128x50xi32> to vector<128xi32>
    %broadcast_in_dim3A_7 = vector.shape_cast %reduce_sum3A_6 : vector<128xi32> to vector<128x1xi32>
    %ge3A = arith.constant 0 : i32
    %ge3A_8 = vector.broadcast %ge3A : i32 to vector<128x1xi32>
    %ge3A_9 = arith.cmpi sge, %broadcast_in_dim3A_7, %ge3A_8 : vector<128x1xi32>
    %convert_element_type3A_10 = arith.extui %ge3A_9 : vector<128x1xi1> to vector<128x1xi32>
    %reduce_sum3A_11 = vector.shape_cast %convert_element_type3A_10 : vector<128x1xi32> to vector<1x128x1xi32>
    %reduce_sum3A_12 = arith.constant dense<0> : vector<1xi32>
    %reduce_sum3A_13 = vector.multi_reduction <add>, %reduce_sum3A_11, %reduce_sum3A_12 [1, 2] : vector<1x128x1xi32> to vector<1xi32>
    %reduce_sum3A_14 = vector.shape_cast %reduce_sum3A_13 : vector<1xi32> to vector<1x1x1xi32>
    %reduce_sum3A_15 = vector.extract %reduce_sum3A_14[0, 0, 0] : i32 from vector<1x1x1xi32>
    %gt3A = arith.constant 0 : i32
    %gt3A_16 = arith.cmpi sgt, %reduce_sum3A_15, %gt3A : i32
    %get3A_17 = arith.constant 0 : index
    %get3A_18 = arith.constant 0 : index
    %get3A_19 = vector.load %arg21[%get3A_17, %get3A_18] : memref<128x50xi32, #tpu.memory_space<vmem>>, vector<128x50xi32>
    %jit3A_20 = arith.constant 0 : i32
    %broadcast_in_dim3A_21 = vector.broadcast %jit3A_20 : i32 to vector<128x50xi32>
    %select_n3A_22 = arith.select %eq3A_3, %get3A_19, %broadcast_in_dim3A_21 : vector<128x50xi1>, vector<128x50xi32>
    %reduce_sum3A_23 = vector.shape_cast %select_n3A_22 : vector<128x50xi32> to vector<1x128x50xi32>
    %reduce_sum3A_24 = arith.constant dense<0> : vector<1xi32>
    %reduce_sum3A_25 = vector.multi_reduction <add>, %reduce_sum3A_23, %reduce_sum3A_24 [1, 2] : vector<1x128x50xi32> to vector<1xi32>
    %reduce_sum3A_26 = vector.shape_cast %reduce_sum3A_25 : vector<1xi32> to vector<1x1x1xi32>
    %reduce_sum3A_27 = vector.extract %reduce_sum3A_26[0, 0, 0] : i32 from vector<1x1x1xi32>
    %gt3A_28 = arith.constant 0 : i32
    %gt3A_29 = arith.cmpi sgt, %reduce_sum3A_27, %gt3A_28 : i32
    %get3A_30 = arith.constant 0 : index
    %get3A_31 = arith.constant 0 : index
    %get3A_32 = vector.load %arg1[%get3A_30, %get3A_31] : memref<128x50xi32, #tpu.memory_space<vmem>>, vector<128x50xi32>
    %jit3A_33 = arith.constant 0 : i32
    %broadcast_in_dim3A_34 = vector.broadcast %jit3A_33 : i32 to vector<128x50xi32>
    %select_n3A_35 = arith.select %eq3A_3, %get3A_32, %broadcast_in_dim3A_34 : vector<128x50xi1>, vector<128x50xi32>
    %reduce_sum3A_36 = arith.constant dense<0> : vector<128xi32>
    %reduce_sum3A_37 = vector.multi_reduction <add>, %select_n3A_35, %reduce_sum3A_36 [1] : vector<128x50xi32> to vector<128xi32>
    %broadcast_in_dim3A_38 = vector.shape_cast %reduce_sum3A_37 : vector<128xi32> to vector<128x1xi32>
    %convert_element_type3A_39 = arith.extui %gt3A_16 : i1 to i32
    %cond3A_40 = arith.constant 0 : i32
    %cond3A_41 = arith.cmpi ne, %convert_element_type3A_39, %cond3A_40 : i32
    scf.if %cond3A_41 {
      %iota3A_140 = tpu.iota {dimensions = array<i32: 0>} : vector<50x128x1xi32>
      %broadcast_in_dim3A_141 = vector.shape_cast %broadcast_in_dim3A_7 : vector<128x1xi32> to vector<1x128x1xi32>
      %eq3A_142 = vector.broadcast %broadcast_in_dim3A_141 : vector<1x128x1xi32> to vector<50x128x1xi32>
      %eq3A_143 = arith.cmpi eq, %iota3A_140, %eq3A_142 : vector<50x128x1xi32>
      %get3A_144 = arith.constant 0 : index
      %get3A_145 = arith.constant 0 : index
      %get3A_146 = arith.constant 0 : index
      %get3A_147 = vector.load %arg19[%get3A_144, %get3A_145, %get3A_146] : memref<50x128x256xf32, #tpu.memory_space<vmem>>, vector<50x128x256xf32>
      %jit3A_148 = arith.constant 0.000000e+00 : f32
      %broadcast_in_dim3A_149 = vector.shape_cast %eq3A_143 : vector<50x128x1xi1> to vector<50x128x1xi1>
      %broadcast_in_dim3A_150 = vector.broadcast %broadcast_in_dim3A_149 : vector<50x128x1xi1> to vector<50x128x256xi1>
      %broadcast_in_dim3A_151 = vector.broadcast %jit3A_148 : f32 to vector<50x128x256xf32>
      %select_n3A_152 = arith.select %broadcast_in_dim3A_150, %get3A_147, %broadcast_in_dim3A_151 : vector<50x128x256xi1>, vector<50x128x256xf32>
      %reduce_sum3A_153 = arith.constant dense<0.000000e+00> : vector<128x256xf32>
      %reduce_sum3A_154 = vector.multi_reduction <add>, %select_n3A_152, %reduce_sum3A_153 [0] : vector<50x128x256xf32> to vector<128x256xf32>
      %swap3A_155 = arith.constant 0 : index
      %swap3A_156 = arith.constant 0 : index
      %swap3A_157 = vector.load %arg22[%swap3A_155, %swap3A_156] : memref<128x256xf32, #tpu.memory_space<vmem>>, vector<128x256xf32>
      tpu.vector_store %arg22[%swap3A_155, %swap3A_156], %reduce_sum3A_154 {strides = array<i32>} : memref<128x256xf32, #tpu.memory_space<vmem>>, vector<128x256xf32>,
    } else {
    }
    %get3A_42 = arith.constant 0 : index
    %get3A_43 = arith.constant 0 : index
    %get3A_44 = arith.constant 0 : index
    %get3A_45 = vector.load %arg2[%get3A_42, %get3A_43, %get3A_44] : memref<1x128x128xf32, #tpu.memory_space<vmem>>, vector<1x128x128xf32>
    %reshape3A = vector.shape_cast %get3A_45 : vector<1x128x128xf32> to vector<128x128xf32>
    %get3A_46 = arith.constant 0 : index
    %get3A_47 = arith.constant 0 : index
    %get3A_48 = arith.constant 0 : index
    %get3A_49 = vector.load %arg3[%get3A_46, %get3A_47, %get3A_48] : memref<1x128x128xf32, #tpu.memory_space<vmem>>, vector<1x128x128xf32>
    %reshape3A_50 = vector.shape_cast %get3A_49 : vector<1x128x128xf32> to vector<128x128xf32>
    %get3A_51 = arith.constant 0 : index
    %get3A_52 = arith.constant 0 : index
    %get3A_53 = vector.load %arg22[%get3A_51, %get3A_52] : memref<128x256xf32, #tpu.memory_space<vmem>>, vector<128x256xf32>
    %get3A_54 = arith.constant 0 : index
    %get3A_55 = arith.constant 0 : index
    %get3A_56 = vector.load %arg14[%get3A_54, %get3A_55] : memref<1x128xf32, #tpu.memory_space<vmem>>, vector<1x128xf32>
    %broadcast_in_dim3A_57 = vector.shape_cast %get3A_56 : vector<1x128xf32> to vector<1x128xf32>
    %broadcast_in_dim3A_58 = vector.broadcast %broadcast_in_dim3A_57 : vector<1x128xf32> to vector<128x128xf32>
    %get3A_59 = arith.constant 0 : index
    %get3A_60 = arith.constant 0 : index
    %get3A_61 = vector.load %arg15[%get3A_59, %get3A_60] : memref<1x128xf32, #tpu.memory_space<vmem>>, vector<1x128xf32>
    %broadcast_in_dim3A_62 = vector.shape_cast %get3A_61 : vector<1x128xf32> to vector<1x128xf32>
    %broadcast_in_dim3A_63 = vector.broadcast %broadcast_in_dim3A_62 : vector<1x128xf32> to vector<128x128xf32>
    %slice3A = vector.extract_strided_slice %get3A_53 {offsets = [0, 0], sizes = [128, 128], strides = [1, 1]} : vector<128x256xf32> to vector<128x128xf32>
    %broadcast_in_dim3A_64 = vector.shape_cast %ge3A_9 : vector<128x1xi1> to vector<128x1xi1>
    %broadcast_in_dim3A_65 = vector.broadcast %broadcast_in_dim3A_64 : vector<128x1xi1> to vector<128x128xi1>
    %select_n3A_66 = arith.select %broadcast_in_dim3A_65, %slice3A, %broadcast_in_dim3A_58 : vector<128x128xi1>, vector<128x128xf32>
    %slice3A_67 = vector.extract_strided_slice %get3A_53 {offsets = [0, 128], sizes = [128, 128], strides = [1, 1]} : vector<128x256xf32> to vector<128x128xf32>
    %broadcast_in_dim3A_68 = vector.shape_cast %ge3A_9 : vector<128x1xi1> to vector<128x1xi1>
    %broadcast_in_dim3A_69 = vector.broadcast %broadcast_in_dim3A_68 : vector<128x1xi1> to vector<128x128xi1>
    %select_n3A_70 = arith.select %broadcast_in_dim3A_69, %slice3A_67, %broadcast_in_dim3A_63 : vector<128x128xi1>, vector<128x128xf32>
    %lt3A = arith.constant 64 : i32
    %lt3A_71 = vector.broadcast %lt3A : i32 to vector<128x1xi32>
    %lt3A_72 = arith.cmpi slt, %broadcast_in_dim3A_38, %lt3A_71 : vector<128x1xi32>
    %broadcast_in_dim3A_73 = vector.shape_cast %lt3A_72 : vector<128x1xi1> to vector<128x1xi1>
    %broadcast_in_dim3A_74 = vector.broadcast %broadcast_in_dim3A_73 : vector<128x1xi1> to vector<128x128xi1>
    %select_n3A_75 = arith.select %broadcast_in_dim3A_74, %reshape3A_50, %select_n3A_66 : vector<128x128xi1>, vector<128x128xf32>
    %get3A_76 = arith.constant 0 : index
    %get3A_77 = arith.constant 0 : index
    %get3A_78 = vector.load %arg17[%get3A_76, %get3A_77] : memref<128x512xf32, #tpu.memory_space<vmem>>, vector<128x512xf32>
    %get3A_79 = arith.constant 0 : index
    %get3A_80 = arith.constant 0 : index
    %get3A_81 = vector.load %arg18[%get3A_79, %get3A_80] : memref<128x512xf32, #tpu.memory_space<vmem>>, vector<128x512xf32>
    %get3A_82 = arith.constant 0 : index
    %get3A_83 = arith.constant 0 : index
    %get3A_84 = vector.load %arg4[%get3A_82, %get3A_83] : memref<128x2048xf32, #tpu.memory_space<vmem>>, vector<128x2048xf32>
    %dot_general3A = arith.constant dense<0.000000e+00> : vector<128x2048xf32>
    %dot_general3A_85 = tpu.matmul %reshape3A, %get3A_84, %dot_general3A {dimension_numbers = #tpu.dot_dimension_numbers<[1], [0], [0], [1], [0, 0, 1, 1], [], []>, transpose_lhs_hint = false} : vector<128x128xf32>, vector<128x2048xf32>, vector<128x2048xf32> -> vector<128x2048xf32>
    %get3A_86 = arith.constant 0 : index
    %get3A_87 = arith.constant 0 : index
    %get3A_88 = vector.load %arg5[%get3A_86, %get3A_87] : memref<128x2048xf32, #tpu.memory_space<vmem>>, vector<128x2048xf32>
    %dot_general3A_89 = arith.constant dense<0.000000e+00> : vector<128x2048xf32>
    %dot_general3A_90 = tpu.matmul %select_n3A_75, %get3A_88, %dot_general3A_89 {dimension_numbers = #tpu.dot_dimension_numbers<[1], [0], [0], [1], [0, 0, 1, 1], [], []>, transpose_lhs_hint = false} : vector<128x128xf32>, vector<128x2048xf32>, vector<128x2048xf32> -> vector<128x2048xf32>
    %add3A = arith.addf %dot_general3A_85, %dot_general3A_90 : vector<128x2048xf32>
    %get3A_91 = arith.constant 0 : index
    %get3A_92 = arith.constant 0 : index
    %get3A_93 = vector.load %arg6[%get3A_91, %get3A_92] : memref<512x2048xf32, #tpu.memory_space<vmem>>, vector<512x2048xf32>
    %dot_general3A_94 = arith.constant dense<0.000000e+00> : vector<128x2048xf32>
    %dot_general3A_95 = tpu.matmul %get3A_78, %get3A_93, %dot_general3A_94 {dimension_numbers = #tpu.dot_dimension_numbers<[1], [0], [0], [1], [0, 0, 1, 1], [], []>, transpose_lhs_hint = false} : vector<128x512xf32>, vector<512x2048xf32>, vector<128x2048xf32> -> vector<128x2048xf32>
    %add3A_96 = arith.addf %add3A, %dot_general3A_95 : vector<128x2048xf32>
    %get3A_97 = arith.constant 0 : index
    %get3A_98 = arith.constant 0 : index
    %get3A_99 = vector.load %arg7[%get3A_97, %get3A_98] : memref<1x2048xf32, #tpu.memory_space<vmem>>, vector<1x2048xf32>
    %add3A_100 = vector.broadcast %get3A_99 : vector<1x2048xf32> to vector<128x2048xf32>
    %add3A_101 = arith.addf %add3A_96, %add3A_100 : vector<128x2048xf32>
    %slice3A_102 = vector.extract_strided_slice %add3A_101 {offsets = [0, 0], sizes = [128, 512], strides = [1, 1]} : vector<128x2048xf32> to vector<128x512xf32>
    %logistic3A = arith.negf %slice3A_102 : vector<128x512xf32>
    %logistic3A_103 = math.exp %logistic3A : vector<128x512xf32>
    %logistic3A_104 = arith.constant 1.000000e+00 : f32
    %logistic3A_105 = vector.broadcast %logistic3A_104 : f32 to vector<128x512xf32>
    %logistic3A_106 = arith.addf %logistic3A_105, %logistic3A_103 : vector<128x512xf32>
    %logistic3A_107 = arith.divf %logistic3A_105, %logistic3A_106 : vector<128x512xf32>
    %slice3A_108 = vector.extract_strided_slice %add3A_101 {offsets = [0, 512], sizes = [128, 512], strides = [1, 1]} : vector<128x2048xf32> to vector<128x512xf32>
    %logistic3A_109 = arith.negf %slice3A_108 : vector<128x512xf32>
    %logistic3A_110 = math.exp %logistic3A_109 : vector<128x512xf32>
    %logistic3A_111 = arith.constant 1.000000e+00 : f32
    %logistic3A_112 = vector.broadcast %logistic3A_111 : f32 to vector<128x512xf32>
    %logistic3A_113 = arith.addf %logistic3A_112, %logistic3A_110 : vector<128x512xf32>
    %logistic3A_114 = arith.divf %logistic3A_112, %logistic3A_113 : vector<128x512xf32>
    %slice3A_115 = vector.extract_strided_slice %add3A_101 {offsets = [0, 1024], sizes = [128, 512], strides = [1, 1]} : vector<128x2048xf32> to vector<128x512xf32>
    %tanh3A = math.tanh %slice3A_115 : vector<128x512xf32>
    %slice3A_116 = vector.extract_strided_slice %add3A_101 {offsets = [0, 1536], sizes = [128, 512], strides = [1, 1]} : vector<128x2048xf32> to vector<128x512xf32>
    %logistic3A_117 = arith.negf %slice3A_116 : vector<128x512xf32>
    %logistic3A_118 = math.exp %logistic3A_117 : vector<128x512xf32>
    %logistic3A_119 = arith.constant 1.000000e+00 : f32
    %logistic3A_120 = vector.broadcast %logistic3A_119 : f32 to vector<128x512xf32>
    %logistic3A_121 = arith.addf %logistic3A_120, %logistic3A_118 : vector<128x512xf32>
    %logistic3A_122 = arith.divf %logistic3A_120, %logistic3A_121 : vector<128x512xf32>
    %mul3A = arith.mulf %logistic3A_114, %get3A_81 : vector<128x512xf32>
    %mul3A_123 = arith.mulf %logistic3A_107, %tanh3A : vector<128x512xf32>
    %add3A_124 = arith.addf %mul3A, %mul3A_123 : vector<128x512xf32>
    %tanh3A_125 = math.tanh %add3A_124 : vector<128x512xf32>
    %mul3A_126 = arith.mulf %logistic3A_122, %tanh3A_125 : vector<128x512xf32>
    %broadcast_in_dim3A_127 = vector.shape_cast %mul3A_126 : vector<128x512xf32> to vector<1x128x512xf32>
    %swap3A = arith.constant 0 : index
    %swap3A_128 = arith.constant 0 : index
    %swap3A_129 = arith.constant 0 : index
    %swap3A_130 = vector.load %arg16[%swap3A, %swap3A_128, %swap3A_129] : memref<1x128x512xf32, #tpu.memory_space<vmem>>, vector<1x128x512xf32>
    tpu.vector_store %arg16[%swap3A, %swap3A_128, %swap3A_129], %broadcast_in_dim3A_127 {strides = array<i32>} : memref<1x128x512xf32, #tpu.memory_space<vmem>>, vector<1x128x512xf32>,
    %swap3A_131 = arith.constant 0 : index
    %swap3A_132 = arith.constant 0 : index
    %swap3A_133 = vector.load %arg17[%swap3A_131, %swap3A_132] : memref<128x512xf32, #tpu.memory_space<vmem>>, vector<128x512xf32>
    tpu.vector_store %arg17[%swap3A_131, %swap3A_132], %mul3A_126 {strides = array<i32>} : memref<128x512xf32, #tpu.memory_space<vmem>>, vector<128x512xf32>,
    %swap3A_134 = arith.constant 0 : index
    %swap3A_135 = arith.constant 0 : index
    %swap3A_136 = vector.load %arg18[%swap3A_134, %swap3A_135] : memref<128x512xf32, #tpu.memory_space<vmem>>, vector<128x512xf32>
    tpu.vector_store %arg18[%swap3A_134, %swap3A_135], %add3A_124 {strides = array<i32>} : memref<128x512xf32, #tpu.memory_space<vmem>>, vector<128x512xf32>,
    %convert_element_type3A_137 = arith.extui %gt3A_29 : i1 to i32
    %cond3A_138 = arith.constant 0 : i32
    %cond3A_139 = arith.cmpi ne, %convert_element_type3A_137, %cond3A_138 : i32
    scf.if %cond3A_139 {
      %get3A_140 = arith.constant 0 : index
      %get3A_141 = arith.constant 0 : index
      %get3A_142 = vector.load %arg8[%get3A_140, %get3A_141] : memref<128x512xf32, #tpu.memory_space<vmem>>, vector<128x512xf32>
      %dot_general3A_143 = arith.constant dense<0.000000e+00> : vector<128x512xf32>
      %dot_general3A_144 = tpu.matmul %reshape3A, %get3A_142, %dot_general3A_143 {dimension_numbers = #tpu.dot_dimension_numbers<[1], [0], [0], [1], [0, 0, 1, 1], [], []>, transpose_lhs_hint = false} : vector<128x128xf32>, vector<128x512xf32>, vector<128x512xf32> -> vector<128x512xf32>
      %get3A_145 = arith.constant 0 : index
      %get3A_146 = arith.constant 0 : index
      %get3A_147 = vector.load %arg9[%get3A_145, %get3A_146] : memref<512x512xf32, #tpu.memory_space<vmem>>, vector<512x512xf32>
      %dot_general3A_148 = arith.constant dense<0.000000e+00> : vector<128x512xf32>
      %dot_general3A_149 = tpu.matmul %get3A_78, %get3A_147, %dot_general3A_148 {dimension_numbers = #tpu.dot_dimension_numbers<[1], [0], [0], [1], [0, 0, 1, 1], [], []>, transpose_lhs_hint = false} : vector<128x512xf32>, vector<512x512xf32>, vector<128x512xf32> -> vector<128x512xf32>
      %add3A_150 = arith.addf %dot_general3A_144, %dot_general3A_149 : vector<128x512xf32>
      %get3A_151 = arith.constant 0 : index
      %get3A_152 = arith.constant 0 : index
      %get3A_153 = vector.load %arg10[%get3A_151, %get3A_152] : memref<128x512xf32, #tpu.memory_space<vmem>>, vector<128x512xf32>
      %dot_general3A_154 = arith.constant dense<0.000000e+00> : vector<128x512xf32>
      %dot_general3A_155 = tpu.matmul %select_n3A_66, %get3A_153, %dot_general3A_154 {dimension_numbers = #tpu.dot_dimension_numbers<[1], [0], [0], [1], [0, 0, 1, 1], [], []>, transpose_lhs_hint = false} : vector<128x128xf32>, vector<128x512xf32>, vector<128x512xf32> -> vector<128x512xf32>
      %add3A_156 = arith.addf %add3A_150, %dot_general3A_155 : vector<128x512xf32>
      %get3A_157 = arith.constant 0 : index
      %get3A_158 = arith.constant 0 : index
      %get3A_159 = vector.load %arg11[%get3A_157, %get3A_158] : memref<1x512xf32, #tpu.memory_space<vmem>>, vector<1x512xf32>
      %add3A_160 = vector.broadcast %get3A_159 : vector<1x512xf32> to vector<128x512xf32>
      %add3A_161 = arith.addf %add3A_156, %add3A_160 : vector<128x512xf32>
      %slice3A_162 = vector.extract_strided_slice %add3A_161 {offsets = [0, 0], sizes = [128, 128], strides = [1, 1]} : vector<128x512xf32> to vector<128x128xf32>
      %logistic3A_163 = arith.negf %slice3A_162 : vector<128x128xf32>
      %logistic3A_164 = math.exp %logistic3A_163 : vector<128x128xf32>
      %logistic3A_165 = arith.constant 1.000000e+00 : f32
      %logistic3A_166 = vector.broadcast %logistic3A_165 : f32 to vector<128x128xf32>
      %logistic3A_167 = arith.addf %logistic3A_166, %logistic3A_164 : vector<128x128xf32>
      %logistic3A_168 = arith.divf %logistic3A_166, %logistic3A_167 : vector<128x128xf32>
      %slice3A_169 = vector.extract_strided_slice %add3A_161 {offsets = [0, 128], sizes = [128, 128], strides = [1, 1]} : vector<128x512xf32> to vector<128x128xf32>
      %logistic3A_170 = arith.negf %slice3A_169 : vector<128x128xf32>
      %logistic3A_171 = math.exp %logistic3A_170 : vector<128x128xf32>
      %logistic3A_172 = arith.constant 1.000000e+00 : f32
      %logistic3A_173 = vector.broadcast %logistic3A_172 : f32 to vector<128x128xf32>
      %logistic3A_174 = arith.addf %logistic3A_173, %logistic3A_171 : vector<128x128xf32>
      %logistic3A_175 = arith.divf %logistic3A_173, %logistic3A_174 : vector<128x128xf32>
      %slice3A_176 = vector.extract_strided_slice %add3A_161 {offsets = [0, 256], sizes = [128, 128], strides = [1, 1]} : vector<128x512xf32> to vector<128x128xf32>
      %tanh3A_177 = math.tanh %slice3A_176 : vector<128x128xf32>
      %slice3A_178 = vector.extract_strided_slice %add3A_161 {offsets = [0, 384], sizes = [128, 128], strides = [1, 1]} : vector<128x512xf32> to vector<128x128xf32>
      %logistic3A_179 = arith.negf %slice3A_178 : vector<128x128xf32>
      %logistic3A_180 = math.exp %logistic3A_179 : vector<128x128xf32>
      %logistic3A_181 = arith.constant 1.000000e+00 : f32
      %logistic3A_182 = vector.broadcast %logistic3A_181 : f32 to vector<128x128xf32>
      %logistic3A_183 = arith.addf %logistic3A_182, %logistic3A_180 : vector<128x128xf32>
      %logistic3A_184 = arith.divf %logistic3A_182, %logistic3A_183 : vector<128x128xf32>
      %mul3A_185 = arith.mulf %logistic3A_175, %select_n3A_70 : vector<128x128xf32>
      %mul3A_186 = arith.mulf %logistic3A_168, %tanh3A_177 : vector<128x128xf32>
      %add3A_187 = arith.addf %mul3A_185, %mul3A_186 : vector<128x128xf32>
      %tanh3A_188 = math.tanh %add3A_187 : vector<128x128xf32>
      %mul3A_189 = arith.mulf %logistic3A_184, %tanh3A_188 : vector<128x128xf32>
      %concatenate3A = tpu.concatenate %mul3A_189, %add3A_187 in 1 : vector<128x128xf32>, vector<128x128xf32> -> vector<128x256xf32>
      %broadcast_in_dim3A_190 = vector.shape_cast %concatenate3A : vector<128x256xf32> to vector<1x128x256xf32>
      %swap3A_191 = arith.index_cast %arg0 : i32 to index
      %swap3A_192 = arith.constant 0 : index
      %swap3A_193 = arith.constant 0 : index
      %swap3A_194 = vector.load %arg19[%swap3A_191, %swap3A_192, %swap3A_193] : memref<50x128x256xf32, #tpu.memory_space<vmem>>, vector<1x128x256xf32>
      tpu.vector_store %arg19[%swap3A_191, %swap3A_192, %swap3A_193], %broadcast_in_dim3A_190 {strides = array<i32>} : memref<50x128x256xf32, #tpu.memory_space<vmem>>, vector<1x128x256xf32>,
    } else {
    }
    return
  }
  func.func @transform_0(%arg0: i32) -> (i32, i32) {
    %c0_i32 = arith.constant 0 : i32
    %c0_i32_0 = arith.constant 0 : i32
    %c0_i32_1 = arith.constant 0 : i32
    return %c0_i32, %c0_i32_0 : i32, i32
  }
  func.func @transform_1(%arg0: i32) -> (i32, i32, i32) {
    %c0_i32 = arith.constant 0 : i32
    %c0_i32_0 = arith.constant 0 : i32
    %c0_i32_1 = arith.constant 0 : i32
    return %arg0, %c0_i32, %c0_i32_0 : i32, i32, i32
  }
  func.func @transform_2(%arg0: i32) -> (i32, i32, i32) {
    %c0_i32 = arith.constant 0 : i32
    %c0_i32_0 = arith.constant 0 : i32
    %c0_i32_1 = arith.constant 0 : i32
    return %arg0, %c0_i32, %c0_i32_0 : i32, i32, i32
  }
  func.func @transform_3(%arg0: i32) -> (i32, i32) {
    %c0_i32 = arith.constant 0 : i32
    %c0_i32_0 = arith.constant 0 : i32
    %c0_i32_1 = arith.constant 0 : i32
    return %c0_i32, %c0_i32_0 : i32, i32
  }
  func.func @transform_4(%arg0: i32) -> (i32, i32) {
    %c0_i32 = arith.constant 0 : i32
    %c0_i32_0 = arith.constant 0 : i32
    %c0_i32_1 = arith.constant 0 : i32
    return %c0_i32, %c0_i32_0 : i32, i32
  }
  func.func @transform_5(%arg0: i32) -> (i32, i32) {
    %c0_i32 = arith.constant 0 : i32
    %c0_i32_0 = arith.constant 0 : i32
    %c0_i32_1 = arith.constant 0 : i32
    return %c0_i32, %c0_i32_0 : i32, i32
  }
  func.func @transform_6(%arg0: i32) -> (i32, i32) {
    %c0_i32 = arith.constant 0 : i32
    %c0_i32_0 = arith.constant 0 : i32
    %c0_i32_1 = arith.constant 0 : i32
    return %c0_i32, %c0_i32_0 : i32, i32
  }
  func.func @transform_7(%arg0: i32) -> (i32, i32) {
    %c0_i32 = arith.constant 0 : i32
    %c0_i32_0 = arith.constant 0 : i32
    %c0_i32_1 = arith.constant 0 : i32
    return %c0_i32, %c0_i32_0 : i32, i32
  }
  func.func @transform_8(%arg0: i32) -> (i32, i32) {
    %c0_i32 = arith.constant 0 : i32
    %c0_i32_0 = arith.constant 0 : i32
    %c0_i32_1 = arith.constant 0 : i32
    return %c0_i32, %c0_i32_0 : i32, i32
  }
  func.func @transform_9(%arg0: i32) -> (i32, i32) {
    %c0_i32 = arith.constant 0 : i32
    %c0_i32_0 = arith.constant 0 : i32
    %c0_i32_1 = arith.constant 0 : i32
    return %c0_i32, %c0_i32_0 : i32, i32
  }
  func.func @transform_10(%arg0: i32) -> (i32, i32) {
    %c0_i32 = arith.constant 0 : i32
    %c0_i32_0 = arith.constant 0 : i32
    %c0_i32_1 = arith.constant 0 : i32
    return %c0_i32, %c0_i32_0 : i32, i32
  }
  func.func @transform_11(%arg0: i32) -> (i32, i32) {
    %c0_i32 = arith.constant 0 : i32
    %c0_i32_0 = arith.constant 0 : i32
    %c0_i32_1 = arith.constant 0 : i32
    return %c0_i32, %c0_i32_0 : i32, i32
  }
  func.func @transform_12(%arg0: i32) -> (i32, i32) {
    %c0_i32 = arith.constant 0 : i32
    %c0_i32_0 = arith.constant 0 : i32
    %c0_i32_1 = arith.constant 0 : i32
    return %c0_i32, %c0_i32_0 : i32, i32
  }
  func.func @transform_13(%arg0: i32) -> (i32, i32) {
    %c0_i32 = arith.constant 0 : i32
    %c0_i32_0 = arith.constant 0 : i32
    %c0_i32_1 = arith.constant 0 : i32
    return %c0_i32, %c0_i32_0 : i32, i32
  }
  func.func @transform_14(%arg0: i32) -> (i32, i32) {
    %c0_i32 = arith.constant 0 : i32
    %c0_i32_0 = arith.constant 0 : i32
    %c0_i32_1 = arith.constant 0 : i32
    return %c0_i32, %c0_i32_0 : i32, i32
  }
  func.func @transform_15(%arg0: i32) -> (i32, i32, i32) {
    %c0_i32 = arith.constant 0 : i32
    %c0_i32_0 = arith.constant 0 : i32
    %c0_i32_1 = arith.constant 0 : i32
    return %arg0, %c0_i32, %c0_i32_0 : i32, i32, i32
  }
}

</mosaic_0001>

<sc_bundles>
// kernel: kernel.4.cloned.1.call-start
scs
__scs_entry_jumppad:
0x0: {  	(pc) =	sbr.rel $0x88, $3  }
0x1: {  	(tag) =	ssettag $0x0;
	lr =	simm.s32 $0x1  }
0x2: {  	[smem:$0x3F91] =	sst lr;
	_ =	strace $0xD0000000  }
0x3: {  	_ = 	snop  }
0x4: {  	_ = 	snop  }
0x5: {  	_ = 	snop  }
0x6: {  	_ = 	snop  }
0x7: {  	_ = 	snop  }
__scs_overlays_trampoline_lowered:
0x8: {  	[smem:$0x3FA0] =	sst s0  }
0x9: {  	[smem:$0x3FA1] =	sst s1  }
0xa: {  	[smem:$0x3FA2] =	sst s2  }
0xb: {  	[smem:$0x3FA3] =	sst s3  }
0xc: {  	[smem:$0x3FA4] =	sst s4  }
0xd: {  	[smem:$0x3FA5] =	sst s5  }
0xe: {  	[smem:$0x3FA6] =	sst s6  }
0xf: {  	[smem:$0x3FA7] =	sst s7  }
0x10: {  	[smem:$0x3FA8] =	sst s8  }
0x11: {  	[smem:$0x3FA9] =	sst s9;
	s0 =	simm.s32 @!p0 $0x0  }
0x12: {  	s1 =	sld [smem:$0x3F8F];
	s0 =	simm.s32 @p0 $0x1  }
0x13: {  	[smem:$0x3FAA] =	sst s0;
	s0 =	simm.s32 @!p1 $0x0  }
0x14: {  	s2 =	sld [smem:$0x3F8E];
	s0 =	simm.s32 @p1 $0x1  }
0x15: {  	[smem:$0x3FAB] =	sst s0;
	s0 =	simm.s32 @!p2 $0x0  }
0x16: {  	s3 =	sld [smem:$0x3FDB];
	s0 =	simm.s32 @p2 $0x1  }
0x17: {  	s4 =	simm.s32 $0x1BF5;
	[smem:$0x3FAD] =	sst s0  }
0x18: {  	s0 =	sld [smem:$0x3F90];
	_ =	swait.ge [sflag:s4], $0x0  }
0x19: {  	s7 =	sld [smem:$0x3F91]  }
0x1a: {  	s8 =	sadd.s32 $0xFFFFE003, lr  }
0x1b: {  	s9 =	sadd.s32 $0xFFFFFEF7, lr;
	s5 =	simm.s32 $0xFFFFFFFF;
	p2 =	slt.u32 s8, $0xFFFFF086  }
0x1c: {  	p1 =	slt.u32 s9, $0xF7A;
	s5 =	simm.s32 @!p2 $0x0  }
0x1d: {  	s5 =	simm.s32 @p1 $0x1;
	p0 =	seq.s32 s7, s2  }
0x1e: {  	s7 =	smul.u32 @!p0 $0xF7A, s2;
	p2 =	seq.s32 @!p0 s5, $0x0  }
0x1f: {  	s9 =	smul.u32 $0xF7A, s1;
	s8 =	simm.s32 @!p0 $0x1BF5;
	p2 =	por !p2, p0  }
0x20: {  	[sflag:s8] =	ssyncset.s32 @!p0 $0xFFFFF086;
	s6 =	sadd.s32 @!p0 s3, s7;
	s7 =	simm.s32 @!p0 $0x108  }
0x21: {  	s3 =	sadd.s32 s3, s9;
	s6 =	sadd.s32 @!p0 $0x88, s6;
	s7 =	simm.s32 @p2 $0x1082  }
0x22: {  	[simem:s7], [sflag:s8] =	dma.local @!p0 [hbm:s6], $0xF7A  }
0x23: {  	s9 =	sor.u32 $0xD0000000, s2;
	s6 =	simm.s32 $0x108;
	_ =	swait.ge @!p0 [sflag:s8], $0x0  }
0x24: {  	s3 =	sadd.s32 $0x88, s3;
	s6 =	simm.s32 @!p1 $0x1082;
	[sflag:s4] =	ssyncset.s32 $0xFFFFF086  }
0x25: {  	[simem:s6], [sflag:s4] =	dma.local [hbm:s3], $0xF7A  }
0x26: {  	[smem:$0x3F91] =	sst s1;
	(tag) =	ssettag s2;
	_ =	strace s9  }
0x27: {  	s1 =	sld [smem:$0x3FA1]  }
0x28: {  	s2 =	sld [smem:$0x3FA2]  }
0x29: {  	s4 =	sld [smem:$0x3FA4]  }
0x2a: {  	p0 =	seq.s32 s5, $0x0;
	s5 =	sld [smem:$0x3FA5]  }
0x2b: {  	s6 =	sld [smem:$0x3FA6]  }
0x2c: {  	s7 =	sld [smem:$0x3FA7]  }
0x2d: {  	s3 =	simm.s32 $0x108;
	s8 =	sld [smem:$0x3FA8]  }
0x2e: {  	s3 =	simm.s32 @!p0 $0x1082;
	s9 =	sld [smem:$0x3FA9]  }
0x2f: {  	lr =	sadd.s32 s0, s3;
	s0 =	sld [smem:$0x3FA0]  }
0x30: {  	s3 =	sld [smem:$0x3FA3]  }
0x31: {  	[smem:$0x3FAC] =	sst s10  }
0x32: {  	s10 =	sld [smem:$0x3FAA];
	_ =	sdelay $0x3  }
0x33: {  	p0 =	seq.s32 s10, $0x1;
	s10 =	sld [smem:$0x3FAC];
	_ =	sdelay $0x3  }
0x34: {  	[smem:$0x3FAC] =	sst s10  }
0x35: {  	s10 =	sld [smem:$0x3FAB];
	_ =	sdelay $0x3  }
0x36: {  	p1 =	seq.s32 s10, $0x1;
	s10 =	sld [smem:$0x3FAC];
	_ =	sdelay $0x3  }
0x37: {  	[smem:$0x3FAC] =	sst s10  }
0x38: {  	s10 =	sld [smem:$0x3FAD]  }
0x39: {  	_ = 	snop;
	(pc) =	sbr.ind lr, $3  }
0x3a: {  	_ = 	snop  }
0x3b: {  	_ = 	snop  }
0x3c: {  	p2 =	seq.s32 s10, $0x1;
	s10 =	sld [smem:$0x3FAC]  }
0x3d: {  	_ =	shalt  }
0x3e: {  	_ =	shalt  }
0x3f: {  	_ =	shalt  }
0x40: {  	_ =	shalt  }
0x41: {  	_ =	shalt  }
0x42: {  	_ =	shalt  }
0x43: {  	_ =	shalt  }
0x44: {  	_ =	shalt  }
0x45: {  	_ =	shalt  }
0x46: {  	_ =	shalt  }
0x47: {  	_ =	shalt  }
0x48: {  	_ =	shalt  }
0x49: {  	_ =	shalt  }
0x4a: {  	_ =	shalt  }
0x4b: {  	_ =	shalt  }
0x4c: {  	_ =	shalt  }
0x4d: {  	_ =	shalt  }
0x4e: {  	_ =	shalt  }
0x4f: {  	_ =	shalt  }
0x50: {  	_ =	shalt  }
0x51: {  	_ =	shalt  }
0x52: {  	_ =	shalt  }
0x53: {  	_ =	shalt  }
0x54: {  	_ =	shalt  }
0x55: {  	_ =	shalt  }
0x56: {  	_ =	shalt  }
0x57: {  	_ =	shalt  }
0x58: {  	_ =	shalt  }
0x59: {  	_ =	shalt  }
0x5a: {  	_ =	shalt  }
0x5b: {  	_ =	shalt  }
0x5c: {  	_ =	shalt  }
0x5d: {  	_ =	shalt  }
0x5e: {  	_ =	shalt  }
0x5f: {  	_ =	shalt  }
0x60: {  	_ =	shalt  }
0x61: {  	_ =	shalt  }
0x62: {  	_ =	shalt  }
0x63: {  	_ =	shalt  }
0x64: {  	_ =	shalt  }
0x65: {  	_ =	shalt  }
0x66: {  	_ =	shalt  }
0x67: {  	_ =	shalt  }
0x68: {  	_ =	shalt  }
0x69: {  	_ =	shalt  }
0x6a: {  	_ =	shalt  }
0x6b: {  	_ =	shalt  }
0x6c: {  	_ =	shalt  }
0x6d: {  	_ =	shalt  }
0x6e: {  	_ =	shalt  }
0x6f: {  	_ =	shalt  }
0x70: {  	_ =	shalt  }
0x71: {  	_ =	shalt  }
0x72: {  	_ =	shalt  }
0x73: {  	_ =	shalt  }
0x74: {  	_ =	shalt  }
0x75: {  	_ =	shalt  }
0x76: {  	_ =	shalt  }
0x77: {  	_ =	shalt  }
0x78: {  	_ =	shalt  }
0x79: {  	_ =	shalt  }
0x7a: {  	_ =	shalt  }
0x7b: {  	_ =	shalt  }
0x7c: {  	_ =	shalt  }
0x7d: {  	_ =	shalt  }
0x7e: {  	_ =	shalt  }
0x7f: {  	_ =	shalt  }
0x80: {  	_ =	shalt  }
0x81: {  	_ =	shalt  }
0x82: {  	_ =	shalt  }
0x83: {  	_ =	shalt  }
0x84: {  	_ =	shalt  }
0x85: {  	_ =	shalt  }
0x86: {  	_ =	shalt  }
0x87: {  	_ =	shalt  }
.Lfunc_end0:
.L_simem_size_0:
called_computation_lowered:
.L_overlay_start_0:
0x88: {  	s2 =	sld [smem:$0x3FD9]  }
0x89: {  	s3 =	sld [smem:$0x3FFE];
	_ =	sdelay $0x1  }
0x8a: {  	s1 =	srdreg.scid  }
0x8b: {  	s0 =	sand.u32 $0x1, s1  }
0x8c: {  	s17 =	sshll.u32 s0, $0xA;
	s2 =	sadd.s32 s3, s2  }
0x8d: {  	s2 =	sadd.s32 s2, s17  }
0x8e: {  	[smem:$0x3FB8] =	sst s2  }
0x8f: {  	_ = 	snop  }
0x90: {  	s2 =	sld [smem:$0x3FC9]  }
0x91: {  	s18 =	sld [smem:$0x3FC6]  }
0x92: {  	s4 =	sld [smem:$0x3FD0];
	(tm) =	ssettm $0x1  }
0x93: {  	s5 =	sld [smem:$0x3FFB];
	_ =	sdelay $0x3  }
0x94: {  	_ =	strace s5  }
0x95: {  	s5 =	sld [smem:$0x3FFC];
	_ =	sdelay $0x3  }
0x96: {  	_ =	strace s5  }
0x97: {  	s5 =	sld [smem:$0x3FFD];
	_ =	sdelay $0x3  }
0x98: {  	_ =	strace s5  }
0x99: {  	_ =	strace $0x8FFFFFFF  }
0x9a: {  	s19 =	sld [smem:$0x3FDB];
	_ =	sdelay $0x1  }
0x9b: {  	s6 =	simm.s32 $_scs_section_size  }
0x9c: {  	s7 =	simm.s32 $_size__tile_overlayer_lowered;
	s8 =	simm.s32 $_tile_overlayer_lowered  }
0x9d: {  	s22 =	simm.s32 $0x1BFF;
	s21 =	sshll.u32 s8, $0x1;
	s5 =	sadd.s32 s6, s19  }
0x9e: {  	s9 =	simm.s32 $0x0;
	s20 =	sshll.u32 s7, $0x1;
	s7 =	sadd.s32 s21, s5  }
0x9f: {  	[timem:s9], [sflag:s22] =	dma.local [hbm:s7], s20  }
0xa0: {  	_ =	swait.ge [sflag:s22], s20  }
0xa1: {  	s6 =	ssub.s32 $0x0, s20;
	[sflag:s22] =	ssyncset.done $0x0  }
0xa2: {  	[sflag:s22] =	ssyncadd.s32 s6;
	_ =	sdelay $0x1  }
0xa3: {  	s23 =	simm.s32 $0x1B8B  }
0xa4: {  	_ =	swait.ge [sflag:s23], $0x1  }
0xa5: {  	[sflag:s23] =	ssyncset.done $0x0  }
0xa6: {  	s25 =	simm.s32 $0x1B8E;
	s24 =	sld [smem:$0x3FFE];
	[sflag:s23] =	ssyncadd.s32 $0xFFFFFFFF  }
0xa7: {  	s26 =	simm.s32 $execute0_lowered;
	[smem:$0x3FD2] =	sst s25  }
0xa8: {  	s7 =	sshll.u32 s26, $0x1;
	_ =	strace $0x80000046;
	[dreg:$0x1] =	wrdreg $0xFFFFFFFF  }
0xa9: {  	s28 =	simm.s32 $_size_execute0_lowered;
	s5 =	sadd.s32 s5, s7;
	[dreg:$0x0] =	wrdreg $0x0  }
0xaa: {  	s7 =	sshll.u32 s28, $0x1;
	[dreg:$0x2] =	wrdreg s5  }
0xab: {  	[dreg:$0x3] =	wrdreg s7  }
0xac: {  	[dreg:$0x4] =	wrdreg $0xC0  }
0xad: {  	_ =	task [dreg:s9], $0x5FFFF  }
0xae: {  	[dreg:$0x1] =	wrdreg $0xFFFFFFFF  }
0xaf: {  	[dreg:$0x0] =	wrdreg $0x60  }
0xb0: {  	[dreg:$0x2] =	wrdreg s24  }
0xb1: {  	[dreg:$0x3] =	wrdreg s2  }
0xb2: {  	[dreg:$0x4] =	wrdreg s18  }
0xb3: {  	[dreg:$0x5] =	wrdreg s4  }
0xb4: {  	[dreg:$0x6] =	wrdreg $0x9  }
0xb5: {  	_ =	task.clear_ibuf [dreg:s9], $0x7FFFF;
	_ =	strace $0x90000046  }
0xb6: {  	s29 =	simm.s32 $0x9;
	_ =	strace $0x80000048  }
0xb7: {  	_ =	swait.ge [sflag:s29], $0x1  }
0xb8: {  	[sflag:s29] =	ssyncadd.s32 $0xFFFFFFFF  }
0xb9: {  	_ =	strace $0x90000048  }
0xba: {  	_ =	sfence  }
0xbb: {  	s30 =	sld [smem:$0x0];
	_ =	sdelay $0x2  }
0xbc: {  	s31 =	sshll.u32 s1, $0xD;
	s1 =	sshrl.u32 s1, $0x2  }
0xbd: {  	s3 =	sand.u32 $0x4000, s31;
	s1 =	sadd.s32 s1, s30  }
0xbe: {  	s0 =	sor.u32 s3, s0;
	s1 =	sshll.u32 s1, $0x11  }
0xbf: {  	s0 =	sor.u32 s1, s0  }
0xc0: {  	s0 =	sadd.s32 $0x8F2B, s0  }
0xc1: {  	[sflag:s0] =	ssyncadd.remote.s32 $0x1  }
0xc2: {  	_ =	sfence.sel $0xFFFF  }
0xc3: {  	[dreg:$0x0] =	wrdreg $0xFFFFFFFF;
	(pc) =	sbr.abs _section_cstart, $3  }
0xc4: {  	[dreg:$0x1] =	wrdreg $0xFFFFFFFF  }
0xc5: {  	_ =	task.clear_ibuf [dreg:s9], $0x2FFFF;
	_ =	strace $0x9FFFFFFF  }
0xc6: {  	(tm) =	ssettm $0x7FFFFFFF  }
0xc7: {  	_ =	shalt  }
tec
execute0_lowered:
.L_overlay_start_1:
0x0: {  	(tag) =	ssettag $0x1  }
0x1: {  	s19 =	rddreg [dreg:$0x0]  }
0x2: {  	s4 =	rddreg [dreg:$0x1]  }
0x3: {  	s1 =	srdreg.scid;
	s0 =	stileid.u32  }
0x4: {  	s2 =	rddreg [dreg:$0x2];
	s18 =	sand.u32 $0x1, s1;
	s30 =	sshll.u32 s0, $0x1  }
0x5: {  	s20 =	rddreg [dreg:$0x3];
	s21 =	sor.u32 s18, s30  }
0x6: {  	s3 =	simm.s32 $0x0;
	s1 =	rddreg [dreg:$0x4];
	s6 =	smul.u32 $0x19, s21  }
0x7: {  	[smem:$0x7FF] =	sst s3  }
0x8: {  	_ =	strace $0x80000047;
	s5 =	sadd.s32 s4, s6;
	s4 =	simm.s32 $0x3  }
0x9: {  	[tilespmem:s3], [sflag:$0x3] =	stream.linear.gather [hbm4b:s5+s3], $0xC8, $0x38;
	[tilespmem:$0xCA00] =	vst v63  }
0xa: {  	_ =	swait.ge [sflag:s4], $0xC8  }
0xb: {  	s6 =	sadd.s32 s6, s19;
	[sflag:s4] =	ssyncset.done $0x0  }
0xc: {  	s7 =	simm.s32 $0x6500;
	s6 =	sadd.s32 $0x2600, s6;
	[sflag:s4] =	ssyncadd.s32 $0xFFFFFF38  }
0xd: {  	[tilespmem:s7], [sflag:$0x3] =	stream.linear.gather [hbm4b:s6+s3], $0xC8, $0x38;
	[tilespmem:$0xCA00] =	vst v63  }
0xe: {  	_ =	swait.ge [sflag:s4], $0xC8  }
0xf: {  	s9 =	simm.s32 $0x80;
	[sflag:s4] =	ssyncset.done $0x0  }
0x10: {  	s10 =	simm.s32 $0x100;
	s8 =	sadd.s32 $0x2A00, s19;
	[sflag:s4] =	ssyncadd.s32 $0xFFFFFF38  }
0x11: {  	[tilespmem:s10], [sflag:$0x1] =	stream.indirect.gather [hbm4b:s8+s9], $0x80, s3, s9, $0xb8;
	[tilespmem:$0xCA00] =	vst v63  }
0x12: {  	s11 =	simm.s32 $0x6600  }
0x13: {  	[tilespmem:s11], [sflag:$0x2] =	stream.indirect.gather [hbm4b:s2+s9], $0x80, s7, s9, $0xb8;
	[tilespmem:$0xCA00] =	vst v63  }
0x14: {  	s12 =	simm.s32 $0x48;
	s13 =	simm.s32 $0x4100  }
0x15: {  	[tilespmem:s13], [sflag:$0x1] =	stream.indirect.gather [hbm4b:s8+s12], $0x80, s9, s12, $0xb8;
	[tilespmem:$0xCA00] =	vst v63  }
0x16: {  	s14 =	simm.s32 $0x6580;
	s15 =	simm.s32 $0xA600;
	s16 =	simm.s32 $0x1  }
0x17: {  	[tilespmem:s15], [sflag:$0x2] =	stream.indirect.gather [hbm4b:s2+s12], $0x80, s14, s12, $0xb8;
	[tilespmem:$0xCA00] =	vst v63  }
0x18: {  	_ =	swait.ge [sflag:s16], $0x4000  }
0x19: {  	[sflag:s16] =	ssyncset.done $0x0  }
0x1a: {  	s17 =	simm.s32 $0x2;
	[sflag:s16] =	ssyncadd.s32 $0xFFFFC000  }
0x1b: {  	_ =	swait.ge [sflag:s17], $0x4000  }
0x1c: {  	[sflag:s17] =	ssyncset.done $0x0  }
0x1d: {  	[sflag:s17] =	ssyncadd.s32 $0xFFFFC000  }
0x1e: {  	_ =	swait.ge [sflag:s16], $0x2400  }
0x1f: {  	[sflag:s16] =	ssyncset.done $0x0  }
0x20: {  	s22 =	ssub.s32 $0x2, s18;
	s21 =	smul.u32 $0xC80, s21;
	[sflag:s16] =	ssyncadd.s32 $0xFFFFDC00  }
0x21: {  	s31 =	sshrl.u32 s22, $0x1;
	_ =	swait.ge [sflag:s17], $0x2400  }
0x22: {  	s18 =	sadd.s32 s20, s21;
	s20 =	ssub.s32 s22, s31;
	[sflag:s17] =	ssyncset.done $0x0  }
0x23: {  	s20 =	smax.u32 s20, $0x1;
	[sflag:s17] =	ssyncadd.s32 $0xFFFFDC00  }
0x24: {  	[hbm4b:s18+s3] =	stream.linear.scatter [tilespmem:s10], [sflag:$0x3], $0x6400, $0x38;
	[tilespmem:$0xCA00] =	vst v63  }
0x25: {  	p0 =	sne.s32 s20, $0x1;
	_ =	swait.ge [sflag:s4], $0x6400  }
.Ltmp0:
0x26: {  	s19 =	sadd.s32 s21, s19;
	[sflag:s4] =	ssyncset.done $0x0;
	(pc) =	sbr.rel @!p0 .LBB2_2-.Ltmp0, $4  }
0x27: {  	s19 =	sadd.s32 $0x6A00, s19;
	[sflag:s4] =	ssyncadd.s32 $0xFFFF9C00  }
0x28: {  	[hbm4b:s19+s3] =	stream.linear.scatter [tilespmem:s11], [sflag:$0x3], $0x6400, $0x38;
	[tilespmem:$0xCA00] =	vst v63  }
0x29: {  	_ =	swait.ge [sflag:s4], $0x6400  }
0x2a: {  	s20 =	sadd.s32 $0xFFFFFFFF, s20;
	[sflag:s4] =	ssyncset.done $0x0  }
.LBB2_1:
0x2b: {  	p0 =	sne.s32 s20, $0x1;
	s20 =	sadd.s32 $0xFFFFFFFF, s20;
	[sflag:s4] =	ssyncadd.s32 $0xFFFF9C00  }
0x2c: {  	[tilespmem:s3], [sflag:$0x3] =	stream.linear.gather [hbm4b:s5+s3], $0xC8, $0x38;
	[tilespmem:$0xCA00] =	vst v63  }
0x2d: {  	_ =	swait.ge [sflag:s4], $0xC8  }
0x2e: {  	[sflag:s4] =	ssyncset.done $0x0  }
0x2f: {  	[sflag:s4] =	ssyncadd.s32 $0xFFFFFF38  }
0x30: {  	[tilespmem:s7], [sflag:$0x3] =	stream.linear.gather [hbm4b:s6+s3], $0xC8, $0x38;
	[tilespmem:$0xCA00] =	vst v63  }
0x31: {  	_ =	swait.ge [sflag:s4], $0xC8  }
0x32: {  	[sflag:s4] =	ssyncset.done $0x0  }
0x33: {  	[sflag:s4] =	ssyncadd.s32 $0xFFFFFF38  }
0x34: {  	[tilespmem:s10], [sflag:$0x1] =	stream.indirect.gather [hbm4b:s8+s9], $0x80, s3, s9, $0xb8;
	[tilespmem:$0xCA00] =	vst v63  }
0x35: {  	_ = 	snop  }
0x36: {  	[tilespmem:s11], [sflag:$0x2] =	stream.indirect.gather [hbm4b:s2+s9], $0x80, s7, s9, $0xb8;
	[tilespmem:$0xCA00] =	vst v63  }
0x37: {  	_ = 	snop  }
0x38: {  	[tilespmem:s13], [sflag:$0x1] =	stream.indirect.gather [hbm4b:s8+s12], $0x80, s9, s12, $0xb8;
	[tilespmem:$0xCA00] =	vst v63  }
0x39: {  	_ = 	snop  }
0x3a: {  	[tilespmem:s15], [sflag:$0x2] =	stream.indirect.gather [hbm4b:s2+s12], $0x80, s14, s12, $0xb8;
	[tilespmem:$0xCA00] =	vst v63  }
0x3b: {  	_ =	swait.ge [sflag:s16], $0x4000  }
0x3c: {  	[sflag:s16] =	ssyncset.done $0x0  }
0x3d: {  	[sflag:s16] =	ssyncadd.s32 $0xFFFFC000  }
0x3e: {  	_ =	swait.ge [sflag:s17], $0x4000  }
0x3f: {  	[sflag:s17] =	ssyncset.done $0x0  }
0x40: {  	[sflag:s17] =	ssyncadd.s32 $0xFFFFC000  }
0x41: {  	_ =	swait.ge [sflag:s16], $0x2400  }
0x42: {  	[sflag:s16] =	ssyncset.done $0x0  }
0x43: {  	[sflag:s16] =	ssyncadd.s32 $0xFFFFDC00  }
0x44: {  	_ =	swait.ge [sflag:s17], $0x2400  }
0x45: {  	[sflag:s17] =	ssyncset.done $0x0  }
0x46: {  	[sflag:s17] =	ssyncadd.s32 $0xFFFFDC00  }
0x47: {  	[hbm4b:s18+s3] =	stream.linear.scatter [tilespmem:s10], [sflag:$0x3], $0x6400, $0x38;
	[tilespmem:$0xCA00] =	vst v63  }
0x48: {  	_ =	swait.ge [sflag:s4], $0x6400  }
.Ltmp1:
0x49: {  	[sflag:s4] =	ssyncset.done $0x0;
	(pc) =	sbr.rel @p0 .LBB2_1-.Ltmp1, $4  }
0x4a: {  	[sflag:s4] =	ssyncadd.s32 $0xFFFF9C00  }
0x4b: {  	[hbm4b:s19+s3] =	stream.linear.scatter [tilespmem:s11], [sflag:$0x3], $0x6400, $0x38;
	[tilespmem:$0xCA00] =	vst v63  }
0x4c: {  	_ =	swait.ge [sflag:s4], $0x6400  }
0x4d: {  	[sflag:s4] =	ssyncset.done $0x0  }
.LBB2_2:
0x4e: {  	[sflag:s4] =	ssyncadd.s32 $0xFFFF9C00  }
0x4f: {  	_ =	sfence.sel $0x180000  }
0x50: {  	[bflag:$0x0] =	sbarrier.arrive $0xFFFF  }
0x51: {  	p0 =	sne.s32 s0, $0x0;
	_ =	strace $0x90000047  }
0x52: {  	s0 =	sadd.s32 @!p0 $0x100000, s1;
	[bflag:$0x2] =	sbarrier.arrive $0xFFFF  }
0x53: {  	[sflag:s0] =	ssyncadd.tile.s32 @!p0 $0x1;
	_ =	shalt  }
.Lfunc_end2:
_tile_overlayer_lowered:
.L_overlay_start_2:
0x54: {  	(tag) =	ssettag $0x2  }
0x55: {  	s0 =	rddreg [dreg:$0x0];
	s2 =	stileid.u32  }
0x56: {  	s1 =	rddreg [dreg:$0x1];
	p0 =	sne.s32 s2, $0x0  }
0x57: {  	s3 =	rddreg [dreg:$0x2];
	[bflag:$0x3] =	sbarrier.arrive $0xFFFF;
	s2 =	simm.s32 @!p0 $0x1C03  }
0x58: {  	[timem:s3], [sflag:s2] =	dma.local @!p0 [hbm:s0], s1  }
0x59: {  	s0 =	simm.s32 @!p0 $0x3  }
0x5a: {  	_ =	swait.ge @!p0 [sflag:s0], s1  }
0x5b: {  	s1 =	ssub.s32 @!p0 $0x0, s1;
	[sflag:s0] =	ssyncset.done @!p0 $0x0  }
0x5c: {  	[sflag:s0] =	ssyncadd.s32 @!p0 s1  }
0x5d: {  	[bflag:$0x3] =	sbarrier.arrive $0xFFFF  }
0x5e: {  	_ =	shalt  }

</sc_bundles>
